<compile_context>
chip_gen: v7x
topology: tpu7x:2x2x1
jax: 0.10.2.dev20260603
libtpu: 0.0.44.dev20260713+nightly
codegen_flags: <defaults>
</compile_context>

<pallas_src>
import functools

import jax
import jax.numpy as jnp
from jax import lax
from jax.experimental import pallas as pl
from jax.experimental.pallas import tpu as pltpu
from jax.experimental.pallas import tpu_sc as plsc

_NC, _NS, _L = 2, 16, 16
_CP = 256


@functools.lru_cache(maxsize=None)
def _make_sc(B, S, V):
    cols_per_w = B // _NS
    slots = cols_per_w * _CP
    n_chunks = -(-S // _L)
    half = V // _NC
    n_out = cols_per_w // _L

    mesh = plsc.VectorSubcoreMesh(
        core_axis_name="c", subcore_axis_name="s",
        num_cores=_NC, num_subcores=_NS)

    @functools.partial(
        pl.kernel,
        out_type=jax.ShapeDtypeStruct((_NC, B), jnp.float32),
        mesh=mesh,
        scratch_types=[
            pltpu.VMEM((slots,), jnp.int32),
            pltpu.VMEM((half,), jnp.float32),
            pltpu.VMEM((half,), jnp.int32),
            pltpu.VMEM((cols_per_w,), jnp.float32),
        ],
        compiler_params=pltpu.CompilerParams(needs_layout_passes=False),
    )
    def sc(text_hbm, w_hbm, out_hbm, tok_v, wch_v, tag_v, out_v):
        cid = lax.axis_index("c")
        sid = lax.axis_index("s")
        lo = cid * half
        pltpu.sync_copy(text_hbm.at[sid], tok_v)
        pltpu.sync_copy(w_hbm.at[pl.ds(lo, half)], wch_v)

        lane = lax.iota(jnp.int32, _L)
        poss = [lane + c * _L for c in range(n_chunks)]
        uhalf = jnp.uint32(half)

        def scatter(col):
            tvecs, masks = [], []
            base = col * _CP
            for c in range(n_chunks):
                idx = tok_v[pl.ds(base + c * _L, _L)]
                t = idx - lo
                inr = t.astype(jnp.uint32) < uhalf
                if (c + 1) * _L > S:
                    inr = jnp.logical_and(inr, poss[c] < S)
                tvecs.append(t)
                masks.append(inr)
                plsc.store_scatter(tag_v, [t], poss[c], mask=inr)
            return tvecs, masks

        def readback(tvecs, masks):
            sels = []
            for c in range(n_chunks):
                tags = plsc.load_gather(tag_v, [tvecs[c]], mask=masks[c])
                sels.append(jnp.logical_and(masks[c], tags == poss[c]))
            return sels

        def accumulate(col, tvecs, sels, outs):
            accs = [jnp.zeros((_L,), jnp.float32) for _ in range(4)]
            for c in range(n_chunks):
                wv = plsc.load_gather(wch_v, [tvecs[c]], mask=sels[c])
                accs[c % 4] = accs[c % 4] + jnp.where(sels[c], wv,
                                                      jnp.float32(0))
            s = jnp.sum((accs[0] + accs[1]) + (accs[2] + accs[3]))
            return tuple(
                jnp.where(lane == col - k * _L, outs[k] + s, outs[k])
                for k in range(n_out)
            )

        def pair_body(i, outs):
            ca, cb = 2 * i, 2 * i + 1
            ta, ma = scatter(ca)
            sa = readback(ta, ma)
            tb, mb = scatter(cb)
            outs = accumulate(ca, ta, sa, outs)
            sb = readback(tb, mb)
            outs = accumulate(cb, tb, sb, outs)
            return outs

        outs = tuple(jnp.zeros((_L,), jnp.float32) for _ in range(n_out))
        outs = lax.fori_loop(0, cols_per_w // 2, pair_body, outs)

        for k in range(n_out):
            out_v[pl.ds(k * _L, _L)] = outs[k]
        pltpu.sync_copy(out_v,
                        out_hbm.at[cid, pl.ds(sid * cols_per_w, cols_per_w)])

    return sc


def kernel(text, W, b):
    S, B = text.shape
    V = W.shape[1]
    t = jnp.pad(text.T.astype(jnp.int32), ((0, 0), (0, _CP - S)))
    t2 = t.reshape(_NS, (B // _NS) * _CP)
    parts = _make_sc(B, S, V)(t2, W.reshape(-1))
    return (parts[0] + parts[1] + b).reshape(B, 1)

# --- scband reference (transcript-rebuilt; emitter-appended) ---
"""Pipeline reference for scband-mnb-24111946400019 (READ-ONLY COPY).

The authoritative reference and input builder live on the scoring server;
editing this copy changes nothing except your own understanding.
"""

import jax, jax.numpy as jnp
import numpy as np

V = 100000
S = 200
B = 1024

def setup_inputs(seed: int = 0) -> dict:
    key = jax.random.key(seed)
    k1, k2, k3 = jax.random.split(key, 3)
    text = jax.random.randint(k1, (S, B), 0, V, dtype=jnp.int64) if jax.config.jax_enable_x64 else jax.random.randint(k1, (S, B), 0, V, dtype=jnp.int32)
    W = jax.random.normal(k2, (1, V), dtype=jnp.float32)
    b = jax.random.normal(k3, (1,), dtype=jnp.float32)
    return {"text": text, "W": W, "b": b}

def reference(text, W, b):
    # Faithful translation of MNB.forward: for each phrase (column of text),
    # Counter iterates UNIQUE token values and adds 1 -> binarized bag-of-words.
    seq_len, batch = text.shape
    cols = text.T.reshape(-1)                      # [B*S] token ids per phrase
    rows = jnp.repeat(jnp.arange(batch), seq_len)  # [B*S] phrase index
    # duplicates all set to 1.0 -> binary presence, matching Counter-unique semantics
    word_vecs = jnp.zeros((batch, V), dtype=jnp.float32).at[rows, cols].set(1.0)
    out = word_vecs @ W.T + b                      # nn.Linear(V, 1)
    return out

if __name__ == "__main__":
    import jax
    _d = setup_inputs()
    print(jax.jit(kernel)(*tuple(_d.values())))

</pallas_src>

<mosaic_0001>
#map = affine_map<(d0, d1) -> (0, 0)>
#map1 = affine_map<(d0, d1) -> (0)>
module attributes {stable_mosaic.version = 14 : i64} {
  func.func @sc(%arg0: i32, %arg1: i32, %arg2: memref<16x16384xi32, #tpu.memory_space<hbm>>, %arg3: memref<100000xf32, #tpu.memory_space<hbm>>, %arg4: memref<2x1024xf32, #tpu.memory_space<hbm>>, %arg5: memref<16384xi32, #tpu.memory_space<vmem>>, %arg6: memref<50000xf32, #tpu.memory_space<vmem>>, %arg7: memref<50000xi32, #tpu.memory_space<vmem>>, %arg8: memref<64xf32, #tpu.memory_space<vmem>>) attributes {dimension_semantics = [#tpu.dimension_semantics<core_parallel>, #tpu.dimension_semantics<subcore_parallel>], iteration_bounds = array<i64: 2, 16>, scalar_prefetch = 0 : i64, scratch_operands = 4 : i64, tpu.core_type = #tpu.core_type<sc_vector_subcore>, window_params = [{transform_indices = #map}, {transform_indices = #map1}, {transform_indices = #map}]} {
    %mul3A = arith.constant 50000 : i32
    %mul3A_0 = arith.muli %arg0, %mul3A : i32
    "tpu.region"() ({
      %run_scoped3A = tpu.sem_alloc : memref<!tpu.dma_semaphore, #tpu.memory_space<semaphore_mem>>
      %dma_start3A = arith.constant 0 : i32
      %dma_start3A_61 = tpu.memref_slice %arg2[%arg1, %dma_start3A] : memref<16x16384xi32, #tpu.memory_space<hbm>> -> memref<1x16384xi32, #tpu.memory_space<hbm>>
      %dma_start3A_62 = tpu.memref_squeeze %dma_start3A_61 : memref<1x16384xi32, #tpu.memory_space<hbm>> -> memref<16384xi32, #tpu.memory_space<hbm>>
      %dma_start3A_63 = arith.constant 0 : i32
      %dma_start3A_64 = tpu.memref_slice %arg2[%arg1, %dma_start3A_63] : memref<16x16384xi32, #tpu.memory_space<hbm>> -> memref<1x16384xi32, #tpu.memory_space<hbm>>
      %dma_start3A_65 = tpu.memref_squeeze %dma_start3A_64 : memref<1x16384xi32, #tpu.memory_space<hbm>> -> memref<16384xi32, #tpu.memory_space<hbm>>
      tpu.enqueue_dma source(%dma_start3A_65 : memref<16384xi32, #tpu.memory_space<hbm>>) target(%arg5 : memref<16384xi32, #tpu.memory_space<vmem>>) target_semaphore(%run_scoped3A : memref<!tpu.dma_semaphore, #tpu.memory_space<semaphore_mem>>)
      %dma_wait3A = arith.constant 0 : i32
      %dma_wait3A_66 = tpu.memref_slice %arg2[%arg1, %dma_wait3A] : memref<16x16384xi32, #tpu.memory_space<hbm>> -> memref<1x16384xi32, #tpu.memory_space<hbm>>
      %dma_wait3A_67 = tpu.memref_squeeze %dma_wait3A_66 : memref<1x16384xi32, #tpu.memory_space<hbm>> -> memref<16384xi32, #tpu.memory_space<hbm>>
      %dma_wait3A_68 = arith.constant 0 : i32
      %dma_wait3A_69 = tpu.memref_slice %arg2[%arg1, %dma_wait3A_68] : memref<16x16384xi32, #tpu.memory_space<hbm>> -> memref<1x16384xi32, #tpu.memory_space<hbm>>
      %dma_wait3A_70 = tpu.memref_squeeze %dma_wait3A_69 : memref<1x16384xi32, #tpu.memory_space<hbm>> -> memref<16384xi32, #tpu.memory_space<hbm>>
      tpu.wait_dma2 semaphore(%run_scoped3A : memref<!tpu.dma_semaphore, #tpu.memory_space<semaphore_mem>>) src(%dma_wait3A_70 : memref<16384xi32, #tpu.memory_space<hbm>>) dst(%arg5 : memref<16384xi32, #tpu.memory_space<vmem>>)
      tpu.yield
    }) : () -> ()
    "tpu.region"() ({
      %run_scoped3A = tpu.sem_alloc : memref<!tpu.dma_semaphore, #tpu.memory_space<semaphore_mem>>
      %dma_start3A = tpu.memref_slice %arg3[%mul3A_0] : memref<100000xf32, #tpu.memory_space<hbm>> -> memref<50000xf32, #tpu.memory_space<hbm>>
      %dma_start3A_61 = tpu.memref_slice %arg3[%mul3A_0] : memref<100000xf32, #tpu.memory_space<hbm>> -> memref<50000xf32, #tpu.memory_space<hbm>>
      tpu.enqueue_dma source(%dma_start3A_61 : memref<50000xf32, #tpu.memory_space<hbm>>) target(%arg6 : memref<50000xf32, #tpu.memory_space<vmem>>) target_semaphore(%run_scoped3A : memref<!tpu.dma_semaphore, #tpu.memory_space<semaphore_mem>>)
      %dma_wait3A = tpu.memref_slice %arg3[%mul3A_0] : memref<100000xf32, #tpu.memory_space<hbm>> -> memref<50000xf32, #tpu.memory_space<hbm>>
      %dma_wait3A_62 = tpu.memref_slice %arg3[%mul3A_0] : memref<100000xf32, #tpu.memory_space<hbm>> -> memref<50000xf32, #tpu.memory_space<hbm>>
      tpu.wait_dma2 semaphore(%run_scoped3A : memref<!tpu.dma_semaphore, #tpu.memory_space<semaphore_mem>>) src(%dma_wait3A_62 : memref<50000xf32, #tpu.memory_space<hbm>>) dst(%arg6 : memref<50000xf32, #tpu.memory_space<vmem>>)
      tpu.yield
    }) : () -> ()
    %iota3A = tpu.iota {dimensions = array<i32: 0>} : vector<16xi32>
    %add3A = arith.constant 0 : i32
    %add3A_1 = vector.broadcast %add3A : i32 to vector<16xi32>
    %add3A_2 = arith.addi %iota3A, %add3A_1 : vector<16xi32>
    %add3A_3 = arith.constant 16 : i32
    %add3A_4 = vector.broadcast %add3A_3 : i32 to vector<16xi32>
    %add3A_5 = arith.addi %iota3A, %add3A_4 : vector<16xi32>
    %add3A_6 = arith.constant 32 : i32
    %add3A_7 = vector.broadcast %add3A_6 : i32 to vector<16xi32>
    %add3A_8 = arith.addi %iota3A, %add3A_7 : vector<16xi32>
    %add3A_9 = arith.constant 48 : i32
    %add3A_10 = vector.broadcast %add3A_9 : i32 to vector<16xi32>
    %add3A_11 = arith.addi %iota3A, %add3A_10 : vector<16xi32>
    %add3A_12 = arith.constant 64 : i32
    %add3A_13 = vector.broadcast %add3A_12 : i32 to vector<16xi32>
    %add3A_14 = arith.addi %iota3A, %add3A_13 : vector<16xi32>
    %add3A_15 = arith.constant 80 : i32
    %add3A_16 = vector.broadcast %add3A_15 : i32 to vector<16xi32>
    %add3A_17 = arith.addi %iota3A, %add3A_16 : vector<16xi32>
    %add3A_18 = arith.constant 96 : i32
    %add3A_19 = vector.broadcast %add3A_18 : i32 to vector<16xi32>
    %add3A_20 = arith.addi %iota3A, %add3A_19 : vector<16xi32>
    %add3A_21 = arith.constant 112 : i32
    %add3A_22 = vector.broadcast %add3A_21 : i32 to vector<16xi32>
    %add3A_23 = arith.addi %iota3A, %add3A_22 : vector<16xi32>
    %add3A_24 = arith.constant 128 : i32
    %add3A_25 = vector.broadcast %add3A_24 : i32 to vector<16xi32>
    %add3A_26 = arith.addi %iota3A, %add3A_25 : vector<16xi32>
    %add3A_27 = arith.constant 144 : i32
    %add3A_28 = vector.broadcast %add3A_27 : i32 to vector<16xi32>
    %add3A_29 = arith.addi %iota3A, %add3A_28 : vector<16xi32>
    %add3A_30 = arith.constant 160 : i32
    %add3A_31 = vector.broadcast %add3A_30 : i32 to vector<16xi32>
    %add3A_32 = arith.addi %iota3A, %add3A_31 : vector<16xi32>
    %add3A_33 = arith.constant 176 : i32
    %add3A_34 = vector.broadcast %add3A_33 : i32 to vector<16xi32>
    %add3A_35 = arith.addi %iota3A, %add3A_34 : vector<16xi32>
    %add3A_36 = arith.constant 192 : i32
    %add3A_37 = vector.broadcast %add3A_36 : i32 to vector<16xi32>
    %add3A_38 = arith.addi %iota3A, %add3A_37 : vector<16xi32>
    %broadcast_in_dim3A = arith.constant 0.000000e+00 : f32
    %broadcast_in_dim3A_39 = vector.broadcast %broadcast_in_dim3A : f32 to vector<16xf32>
    %broadcast_in_dim3A_40 = arith.constant 0.000000e+00 : f32
    %broadcast_in_dim3A_41 = vector.broadcast %broadcast_in_dim3A_40 : f32 to vector<16xf32>
    %broadcast_in_dim3A_42 = arith.constant 0.000000e+00 : f32
    %broadcast_in_dim3A_43 = vector.broadcast %broadcast_in_dim3A_42 : f32 to vector<16xf32>
    %broadcast_in_dim3A_44 = arith.constant 0.000000e+00 : f32
    %broadcast_in_dim3A_45 = vector.broadcast %broadcast_in_dim3A_44 : f32 to vector<16xf32>
    %scan3A = arith.constant 50000 : i32
    %scan3A_46 = arith.constant 0 : i32
    %scan3A_47 = arith.constant 32 : i32
    %scan3A_48 = arith.addi %scan3A_46, %scan3A_47 : i32
    %scan3A_49 = arith.constant 1 : i32
    %scan3A_50:4 = scf.for %scan3A_61 = %scan3A_46 to %scan3A_48 step %scan3A_49 iter_args(%scan3A_62 = %broadcast_in_dim3A_39, %scan3A_63 = %broadcast_in_dim3A_41, %scan3A_64 = %broadcast_in_dim3A_43, %scan3A_65 = %broadcast_in_dim3A_45) -> (vector<16xf32>, vector<16xf32>, vector<16xf32>, vector<16xf32>)  : i32 {
      %mul3A_66 = arith.constant 2 : i32
      %mul3A_67 = arith.muli %mul3A_66, %scan3A_61 : i32
      %mul3A_68 = arith.constant 2 : i32
      %mul3A_69 = arith.muli %mul3A_68, %scan3A_61 : i32
      %add3A_70 = arith.constant 1 : i32
      %add3A_71 = arith.addi %mul3A_69, %add3A_70 : i32
      %mul3A_72 = arith.constant 256 : i32
      %mul3A_73 = arith.muli %mul3A_67, %mul3A_72 : i32
      %add3A_74 = arith.constant 0 : i32
      %add3A_75 = arith.addi %mul3A_73, %add3A_74 : i32
      %get3A = arith.index_cast %add3A_75 : i32 to index
      %get3A_76 = tpu.vector_load %arg5[%get3A] {strides = array<i32>} : memref<16384xi32, #tpu.memory_space<vmem>>, vector<16xi32>,
      %sub3A = vector.broadcast %mul3A_0 : i32 to vector<16xi32>
      %sub3A_77 = arith.subi %get3A_76, %sub3A : vector<16xi32>
      %lt3A = vector.broadcast %scan3A : i32 to vector<16xi32>
      %lt3A_78 = arith.cmpi ult, %sub3A_77, %lt3A : vector<16xi32>
      tpu.vector_store_idx %arg7[%sub3A_77], %add3A_2 masked %lt3A_78 : memref<50000xi32, #tpu.memory_space<vmem>>[vector<16xi32>], vector<16xi32>, vector<16xi1>
      %add3A_79 = arith.constant 16 : i32
      %add3A_80 = arith.addi %mul3A_73, %add3A_79 : i32
      %get3A_81 = arith.index_cast %add3A_80 : i32 to index
      %get3A_82 = tpu.vector_load %arg5[%get3A_81] {strides = array<i32>} : memref<16384xi32, #tpu.memory_space<vmem>>, vector<16xi32>,
      %sub3A_83 = vector.broadcast %mul3A_0 : i32 to vector<16xi32>
      %sub3A_84 = arith.subi %get3A_82, %sub3A_83 : vector<16xi32>
      %lt3A_85 = vector.broadcast %scan3A : i32 to vector<16xi32>
      %lt3A_86 = arith.cmpi ult, %sub3A_84, %lt3A_85 : vector<16xi32>
      tpu.vector_store_idx %arg7[%sub3A_84], %add3A_5 masked %lt3A_86 : memref<50000xi32, #tpu.memory_space<vmem>>[vector<16xi32>], vector<16xi32>, vector<16xi1>
      %add3A_87 = arith.constant 32 : i32
      %add3A_88 = arith.addi %mul3A_73, %add3A_87 : i32
      %get3A_89 = arith.index_cast %add3A_88 : i32 to index
      %get3A_90 = tpu.vector_load %arg5[%get3A_89] {strides = array<i32>} : memref<16384xi32, #tpu.memory_space<vmem>>, vector<16xi32>,
      %sub3A_91 = vector.broadcast %mul3A_0 : i32 to vector<16xi32>
      %sub3A_92 = arith.subi %get3A_90, %sub3A_91 : vector<16xi32>
      %lt3A_93 = vector.broadcast %scan3A : i32 to vector<16xi32>
      %lt3A_94 = arith.cmpi ult, %sub3A_92, %lt3A_93 : vector<16xi32>
      tpu.vector_store_idx %arg7[%sub3A_92], %add3A_8 masked %lt3A_94 : memref<50000xi32, #tpu.memory_space<vmem>>[vector<16xi32>], vector<16xi32>, vector<16xi1>
      %add3A_95 = arith.constant 48 : i32
      %add3A_96 = arith.addi %mul3A_73, %add3A_95 : i32
      %get3A_97 = arith.index_cast %add3A_96 : i32 to index
      %get3A_98 = tpu.vector_load %arg5[%get3A_97] {strides = array<i32>} : memref<16384xi32, #tpu.memory_space<vmem>>, vector<16xi32>,
      %sub3A_99 = vector.broadcast %mul3A_0 : i32 to vector<16xi32>
      %sub3A_100 = arith.subi %get3A_98, %sub3A_99 : vector<16xi32>
      %lt3A_101 = vector.broadcast %scan3A : i32 to vector<16xi32>
      %lt3A_102 = arith.cmpi ult, %sub3A_100, %lt3A_101 : vector<16xi32>
      tpu.vector_store_idx %arg7[%sub3A_100], %add3A_11 masked %lt3A_102 : memref<50000xi32, #tpu.memory_space<vmem>>[vector<16xi32>], vector<16xi32>, vector<16xi1>
      %add3A_103 = arith.constant 64 : i32
      %add3A_104 = arith.addi %mul3A_73, %add3A_103 : i32
      %get3A_105 = arith.index_cast %add3A_104 : i32 to index
      %get3A_106 = tpu.vector_load %arg5[%get3A_105] {strides = array<i32>} : memref<16384xi32, #tpu.memory_space<vmem>>, vector<16xi32>,
      %sub3A_107 = vector.broadcast %mul3A_0 : i32 to vector<16xi32>
      %sub3A_108 = arith.subi %get3A_106, %sub3A_107 : vector<16xi32>
      %lt3A_109 = vector.broadcast %scan3A : i32 to vector<16xi32>
      %lt3A_110 = arith.cmpi ult, %sub3A_108, %lt3A_109 : vector<16xi32>
      tpu.vector_store_idx %arg7[%sub3A_108], %add3A_14 masked %lt3A_110 : memref<50000xi32, #tpu.memory_space<vmem>>[vector<16xi32>], vector<16xi32>, vector<16xi1>
      %add3A_111 = arith.constant 80 : i32
      %add3A_112 = arith.addi %mul3A_73, %add3A_111 : i32
      %get3A_113 = arith.index_cast %add3A_112 : i32 to index
      %get3A_114 = tpu.vector_load %arg5[%get3A_113] {strides = array<i32>} : memref<16384xi32, #tpu.memory_space<vmem>>, vector<16xi32>,
      %sub3A_115 = vector.broadcast %mul3A_0 : i32 to vector<16xi32>
      %sub3A_116 = arith.subi %get3A_114, %sub3A_115 : vector<16xi32>
      %lt3A_117 = vector.broadcast %scan3A : i32 to vector<16xi32>
      %lt3A_118 = arith.cmpi ult, %sub3A_116, %lt3A_117 : vector<16xi32>
      tpu.vector_store_idx %arg7[%sub3A_116], %add3A_17 masked %lt3A_118 : memref<50000xi32, #tpu.memory_space<vmem>>[vector<16xi32>], vector<16xi32>, vector<16xi1>
      %add3A_119 = arith.constant 96 : i32
      %add3A_120 = arith.addi %mul3A_73, %add3A_119 : i32
      %get3A_121 = arith.index_cast %add3A_120 : i32 to index
      %get3A_122 = tpu.vector_load %arg5[%get3A_121] {strides = array<i32>} : memref<16384xi32, #tpu.memory_space<vmem>>, vector<16xi32>,
      %sub3A_123 = vector.broadcast %mul3A_0 : i32 to vector<16xi32>
      %sub3A_124 = arith.subi %get3A_122, %sub3A_123 : vector<16xi32>
      %lt3A_125 = vector.broadcast %scan3A : i32 to vector<16xi32>
      %lt3A_126 = arith.cmpi ult, %sub3A_124, %lt3A_125 : vector<16xi32>
      tpu.vector_store_idx %arg7[%sub3A_124], %add3A_20 masked %lt3A_126 : memref<50000xi32, #tpu.memory_space<vmem>>[vector<16xi32>], vector<16xi32>, vector<16xi1>
      %add3A_127 = arith.constant 112 : i32
      %add3A_128 = arith.addi %mul3A_73, %add3A_127 : i32
      %get3A_129 = arith.index_cast %add3A_128 : i32 to index
      %get3A_130 = tpu.vector_load %arg5[%get3A_129] {strides = array<i32>} : memref<16384xi32, #tpu.memory_space<vmem>>, vector<16xi32>,
      %sub3A_131 = vector.broadcast %mul3A_0 : i32 to vector<16xi32>
      %sub3A_132 = arith.subi %get3A_130, %sub3A_131 : vector<16xi32>
      %lt3A_133 = vector.broadcast %scan3A : i32 to vector<16xi32>
      %lt3A_134 = arith.cmpi ult, %sub3A_132, %lt3A_133 : vector<16xi32>
      tpu.vector_store_idx %arg7[%sub3A_132], %add3A_23 masked %lt3A_134 : memref<50000xi32, #tpu.memory_space<vmem>>[vector<16xi32>], vector<16xi32>, vector<16xi1>
      %add3A_135 = arith.constant 128 : i32
      %add3A_136 = arith.addi %mul3A_73, %add3A_135 : i32
      %get3A_137 = arith.index_cast %add3A_136 : i32 to index
      %get3A_138 = tpu.vector_load %arg5[%get3A_137] {strides = array<i32>} : memref<16384xi32, #tpu.memory_space<vmem>>, vector<16xi32>,
      %sub3A_139 = vector.broadcast %mul3A_0 : i32 to vector<16xi32>
      %sub3A_140 = arith.subi %get3A_138, %sub3A_139 : vector<16xi32>
      %lt3A_141 = vector.broadcast %scan3A : i32 to vector<16xi32>
      %lt3A_142 = arith.cmpi ult, %sub3A_140, %lt3A_141 : vector<16xi32>
      tpu.vector_store_idx %arg7[%sub3A_140], %add3A_26 masked %lt3A_142 : memref<50000xi32, #tpu.memory_space<vmem>>[vector<16xi32>], vector<16xi32>, vector<16xi1>
      %add3A_143 = arith.constant 144 : i32
      %add3A_144 = arith.addi %mul3A_73, %add3A_143 : i32
      %get3A_145 = arith.index_cast %add3A_144 : i32 to index
      %get3A_146 = tpu.vector_load %arg5[%get3A_145] {strides = array<i32>} : memref<16384xi32, #tpu.memory_space<vmem>>, vector<16xi32>,
      %sub3A_147 = vector.broadcast %mul3A_0 : i32 to vector<16xi32>
      %sub3A_148 = arith.subi %get3A_146, %sub3A_147 : vector<16xi32>
      %lt3A_149 = vector.broadcast %scan3A : i32 to vector<16xi32>
      %lt3A_150 = arith.cmpi ult, %sub3A_148, %lt3A_149 : vector<16xi32>
      tpu.vector_store_idx %arg7[%sub3A_148], %add3A_29 masked %lt3A_150 : memref<50000xi32, #tpu.memory_space<vmem>>[vector<16xi32>], vector<16xi32>, vector<16xi1>
      %add3A_151 = arith.constant 160 : i32
      %add3A_152 = arith.addi %mul3A_73, %add3A_151 : i32
      %get3A_153 = arith.index_cast %add3A_152 : i32 to index
      %get3A_154 = tpu.vector_load %arg5[%get3A_153] {strides = array<i32>} : memref<16384xi32, #tpu.memory_space<vmem>>, vector<16xi32>,
      %sub3A_155 = vector.broadcast %mul3A_0 : i32 to vector<16xi32>
      %sub3A_156 = arith.subi %get3A_154, %sub3A_155 : vector<16xi32>
      %lt3A_157 = vector.broadcast %scan3A : i32 to vector<16xi32>
      %lt3A_158 = arith.cmpi ult, %sub3A_156, %lt3A_157 : vector<16xi32>
      tpu.vector_store_idx %arg7[%sub3A_156], %add3A_32 masked %lt3A_158 : memref<50000xi32, #tpu.memory_space<vmem>>[vector<16xi32>], vector<16xi32>, vector<16xi1>
      %add3A_159 = arith.constant 176 : i32
      %add3A_160 = arith.addi %mul3A_73, %add3A_159 : i32
      %get3A_161 = arith.index_cast %add3A_160 : i32 to index
      %get3A_162 = tpu.vector_load %arg5[%get3A_161] {strides = array<i32>} : memref<16384xi32, #tpu.memory_space<vmem>>, vector<16xi32>,
      %sub3A_163 = vector.broadcast %mul3A_0 : i32 to vector<16xi32>
      %sub3A_164 = arith.subi %get3A_162, %sub3A_163 : vector<16xi32>
      %lt3A_165 = vector.broadcast %scan3A : i32 to vector<16xi32>
      %lt3A_166 = arith.cmpi ult, %sub3A_164, %lt3A_165 : vector<16xi32>
      tpu.vector_store_idx %arg7[%sub3A_164], %add3A_35 masked %lt3A_166 : memref<50000xi32, #tpu.memory_space<vmem>>[vector<16xi32>], vector<16xi32>, vector<16xi1>
      %add3A_167 = arith.constant 192 : i32
      %add3A_168 = arith.addi %mul3A_73, %add3A_167 : i32
      %get3A_169 = arith.index_cast %add3A_168 : i32 to index
      %get3A_170 = tpu.vector_load %arg5[%get3A_169] {strides = array<i32>} : memref<16384xi32, #tpu.memory_space<vmem>>, vector<16xi32>,
      %sub3A_171 = vector.broadcast %mul3A_0 : i32 to vector<16xi32>
      %sub3A_172 = arith.subi %get3A_170, %sub3A_171 : vector<16xi32>
      %lt3A_173 = vector.broadcast %scan3A : i32 to vector<16xi32>
      %lt3A_174 = arith.cmpi ult, %sub3A_172, %lt3A_173 : vector<16xi32>
      %lt3A_175 = arith.constant 200 : i32
      %lt3A_176 = vector.broadcast %lt3A_175 : i32 to vector<16xi32>
      %lt3A_177 = arith.cmpi slt, %add3A_38, %lt3A_176 : vector<16xi32>
      %and3A = arith.andi %lt3A_174, %lt3A_177 : vector<16xi1>
      tpu.vector_store_idx %arg7[%sub3A_172], %add3A_38 masked %and3A : memref<50000xi32, #tpu.memory_space<vmem>>[vector<16xi32>], vector<16xi32>, vector<16xi1>
      %gather3A = tpu.vector_load_idx %arg7[%sub3A_77] masked %lt3A_78 : memref<50000xi32, #tpu.memory_space<vmem>>[vector<16xi32>], vector<16xi32>, vector<16xi1>
      %eq3A = arith.cmpi eq, %gather3A, %add3A_2 : vector<16xi32>
      %and3A_178 = arith.andi %lt3A_78, %eq3A : vector<16xi1>
      %gather3A_179 = tpu.vector_load_idx %arg7[%sub3A_84] masked %lt3A_86 : memref<50000xi32, #tpu.memory_space<vmem>>[vector<16xi32>], vector<16xi32>, vector<16xi1>
      %eq3A_180 = arith.cmpi eq, %gather3A_179, %add3A_5 : vector<16xi32>
      %and3A_181 = arith.andi %lt3A_86, %eq3A_180 : vector<16xi1>
      %gather3A_182 = tpu.vector_load_idx %arg7[%sub3A_92] masked %lt3A_94 : memref<50000xi32, #tpu.memory_space<vmem>>[vector<16xi32>], vector<16xi32>, vector<16xi1>
      %eq3A_183 = arith.cmpi eq, %gather3A_182, %add3A_8 : vector<16xi32>
      %and3A_184 = arith.andi %lt3A_94, %eq3A_183 : vector<16xi1>
      %gather3A_185 = tpu.vector_load_idx %arg7[%sub3A_100] masked %lt3A_102 : memref<50000xi32, #tpu.memory_space<vmem>>[vector<16xi32>], vector<16xi32>, vector<16xi1>
      %eq3A_186 = arith.cmpi eq, %gather3A_185, %add3A_11 : vector<16xi32>
      %and3A_187 = arith.andi %lt3A_102, %eq3A_186 : vector<16xi1>
      %gather3A_188 = tpu.vector_load_idx %arg7[%sub3A_108] masked %lt3A_110 : memref<50000xi32, #tpu.memory_space<vmem>>[vector<16xi32>], vector<16xi32>, vector<16xi1>
      %eq3A_189 = arith.cmpi eq, %gather3A_188, %add3A_14 : vector<16xi32>
      %and3A_190 = arith.andi %lt3A_110, %eq3A_189 : vector<16xi1>
      %gather3A_191 = tpu.vector_load_idx %arg7[%sub3A_116] masked %lt3A_118 : memref<50000xi32, #tpu.memory_space<vmem>>[vector<16xi32>], vector<16xi32>, vector<16xi1>
      %eq3A_192 = arith.cmpi eq, %gather3A_191, %add3A_17 : vector<16xi32>
      %and3A_193 = arith.andi %lt3A_118, %eq3A_192 : vector<16xi1>
      %gather3A_194 = tpu.vector_load_idx %arg7[%sub3A_124] masked %lt3A_126 : memref<50000xi32, #tpu.memory_space<vmem>>[vector<16xi32>], vector<16xi32>, vector<16xi1>
      %eq3A_195 = arith.cmpi eq, %gather3A_194, %add3A_20 : vector<16xi32>
      %and3A_196 = arith.andi %lt3A_126, %eq3A_195 : vector<16xi1>
      %gather3A_197 = tpu.vector_load_idx %arg7[%sub3A_132] masked %lt3A_134 : memref<50000xi32, #tpu.memory_space<vmem>>[vector<16xi32>], vector<16xi32>, vector<16xi1>
      %eq3A_198 = arith.cmpi eq, %gather3A_197, %add3A_23 : vector<16xi32>
      %and3A_199 = arith.andi %lt3A_134, %eq3A_198 : vector<16xi1>
      %gather3A_200 = tpu.vector_load_idx %arg7[%sub3A_140] masked %lt3A_142 : memref<50000xi32, #tpu.memory_space<vmem>>[vector<16xi32>], vector<16xi32>, vector<16xi1>
      %eq3A_201 = arith.cmpi eq, %gather3A_200, %add3A_26 : vector<16xi32>
      %and3A_202 = arith.andi %lt3A_142, %eq3A_201 : vector<16xi1>
      %gather3A_203 = tpu.vector_load_idx %arg7[%sub3A_148] masked %lt3A_150 : memref<50000xi32, #tpu.memory_space<vmem>>[vector<16xi32>], vector<16xi32>, vector<16xi1>
      %eq3A_204 = arith.cmpi eq, %gather3A_203, %add3A_29 : vector<16xi32>
      %and3A_205 = arith.andi %lt3A_150, %eq3A_204 : vector<16xi1>
      %gather3A_206 = tpu.vector_load_idx %arg7[%sub3A_156] masked %lt3A_158 : memref<50000xi32, #tpu.memory_space<vmem>>[vector<16xi32>], vector<16xi32>, vector<16xi1>
      %eq3A_207 = arith.cmpi eq, %gather3A_206, %add3A_32 : vector<16xi32>
      %and3A_208 = arith.andi %lt3A_158, %eq3A_207 : vector<16xi1>
      %gather3A_209 = tpu.vector_load_idx %arg7[%sub3A_164] masked %lt3A_166 : memref<50000xi32, #tpu.memory_space<vmem>>[vector<16xi32>], vector<16xi32>, vector<16xi1>
      %eq3A_210 = arith.cmpi eq, %gather3A_209, %add3A_35 : vector<16xi32>
      %and3A_211 = arith.andi %lt3A_166, %eq3A_210 : vector<16xi1>
      %gather3A_212 = tpu.vector_load_idx %arg7[%sub3A_172] masked %and3A : memref<50000xi32, #tpu.memory_space<vmem>>[vector<16xi32>], vector<16xi32>, vector<16xi1>
      %eq3A_213 = arith.cmpi eq, %gather3A_212, %add3A_38 : vector<16xi32>
      %and3A_214 = arith.andi %and3A, %eq3A_213 : vector<16xi1>
      %mul3A_215 = arith.constant 256 : i32
      %mul3A_216 = arith.muli %add3A_71, %mul3A_215 : i32
      %add3A_217 = arith.constant 0 : i32
      %add3A_218 = arith.addi %mul3A_216, %add3A_217 : i32
      %get3A_219 = arith.index_cast %add3A_218 : i32 to index
      %get3A_220 = tpu.vector_load %arg5[%get3A_219] {strides = array<i32>} : memref<16384xi32, #tpu.memory_space<vmem>>, vector<16xi32>,
      %sub3A_221 = vector.broadcast %mul3A_0 : i32 to vector<16xi32>
      %sub3A_222 = arith.subi %get3A_220, %sub3A_221 : vector<16xi32>
      %lt3A_223 = vector.broadcast %scan3A : i32 to vector<16xi32>
      %lt3A_224 = arith.cmpi ult, %sub3A_222, %lt3A_223 : vector<16xi32>
      tpu.vector_store_idx %arg7[%sub3A_222], %add3A_2 masked %lt3A_224 : memref<50000xi32, #tpu.memory_space<vmem>>[vector<16xi32>], vector<16xi32>, vector<16xi1>
      %add3A_225 = arith.constant 16 : i32
      %add3A_226 = arith.addi %mul3A_216, %add3A_225 : i32
      %get3A_227 = arith.index_cast %add3A_226 : i32 to index
      %get3A_228 = tpu.vector_load %arg5[%get3A_227] {strides = array<i32>} : memref<16384xi32, #tpu.memory_space<vmem>>, vector<16xi32>,
      %sub3A_229 = vector.broadcast %mul3A_0 : i32 to vector<16xi32>
      %sub3A_230 = arith.subi %get3A_228, %sub3A_229 : vector<16xi32>
      %lt3A_231 = vector.broadcast %scan3A : i32 to vector<16xi32>
      %lt3A_232 = arith.cmpi ult, %sub3A_230, %lt3A_231 : vector<16xi32>
      tpu.vector_store_idx %arg7[%sub3A_230], %add3A_5 masked %lt3A_232 : memref<50000xi32, #tpu.memory_space<vmem>>[vector<16xi32>], vector<16xi32>, vector<16xi1>
      %add3A_233 = arith.constant 32 : i32
      %add3A_234 = arith.addi %mul3A_216, %add3A_233 : i32
      %get3A_235 = arith.index_cast %add3A_234 : i32 to index
      %get3A_236 = tpu.vector_load %arg5[%get3A_235] {strides = array<i32>} : memref<16384xi32, #tpu.memory_space<vmem>>, vector<16xi32>,
      %sub3A_237 = vector.broadcast %mul3A_0 : i32 to vector<16xi32>
      %sub3A_238 = arith.subi %get3A_236, %sub3A_237 : vector<16xi32>
      %lt3A_239 = vector.broadcast %scan3A : i32 to vector<16xi32>
      %lt3A_240 = arith.cmpi ult, %sub3A_238, %lt3A_239 : vector<16xi32>
      tpu.vector_store_idx %arg7[%sub3A_238], %add3A_8 masked %lt3A_240 : memref<50000xi32, #tpu.memory_space<vmem>>[vector<16xi32>], vector<16xi32>, vector<16xi1>
      %add3A_241 = arith.constant 48 : i32
      %add3A_242 = arith.addi %mul3A_216, %add3A_241 : i32
      %get3A_243 = arith.index_cast %add3A_242 : i32 to index
      %get3A_244 = tpu.vector_load %arg5[%get3A_243] {strides = array<i32>} : memref<16384xi32, #tpu.memory_space<vmem>>, vector<16xi32>,
      %sub3A_245 = vector.broadcast %mul3A_0 : i32 to vector<16xi32>
      %sub3A_246 = arith.subi %get3A_244, %sub3A_245 : vector<16xi32>
      %lt3A_247 = vector.broadcast %scan3A : i32 to vector<16xi32>
      %lt3A_248 = arith.cmpi ult, %sub3A_246, %lt3A_247 : vector<16xi32>
      tpu.vector_store_idx %arg7[%sub3A_246], %add3A_11 masked %lt3A_248 : memref<50000xi32, #tpu.memory_space<vmem>>[vector<16xi32>], vector<16xi32>, vector<16xi1>
      %add3A_249 = arith.constant 64 : i32
      %add3A_250 = arith.addi %mul3A_216, %add3A_249 : i32
      %get3A_251 = arith.index_cast %add3A_250 : i32 to index
      %get3A_252 = tpu.vector_load %arg5[%get3A_251] {strides = array<i32>} : memref<16384xi32, #tpu.memory_space<vmem>>, vector<16xi32>,
      %sub3A_253 = vector.broadcast %mul3A_0 : i32 to vector<16xi32>
      %sub3A_254 = arith.subi %get3A_252, %sub3A_253 : vector<16xi32>
      %lt3A_255 = vector.broadcast %scan3A : i32 to vector<16xi32>
      %lt3A_256 = arith.cmpi ult, %sub3A_254, %lt3A_255 : vector<16xi32>
      tpu.vector_store_idx %arg7[%sub3A_254], %add3A_14 masked %lt3A_256 : memref<50000xi32, #tpu.memory_space<vmem>>[vector<16xi32>], vector<16xi32>, vector<16xi1>
      %add3A_257 = arith.constant 80 : i32
      %add3A_258 = arith.addi %mul3A_216, %add3A_257 : i32
      %get3A_259 = arith.index_cast %add3A_258 : i32 to index
      %get3A_260 = tpu.vector_load %arg5[%get3A_259] {strides = array<i32>} : memref<16384xi32, #tpu.memory_space<vmem>>, vector<16xi32>,
      %sub3A_261 = vector.broadcast %mul3A_0 : i32 to vector<16xi32>
      %sub3A_262 = arith.subi %get3A_260, %sub3A_261 : vector<16xi32>
      %lt3A_263 = vector.broadcast %scan3A : i32 to vector<16xi32>
      %lt3A_264 = arith.cmpi ult, %sub3A_262, %lt3A_263 : vector<16xi32>
      tpu.vector_store_idx %arg7[%sub3A_262], %add3A_17 masked %lt3A_264 : memref<50000xi32, #tpu.memory_space<vmem>>[vector<16xi32>], vector<16xi32>, vector<16xi1>
      %add3A_265 = arith.constant 96 : i32
      %add3A_266 = arith.addi %mul3A_216, %add3A_265 : i32
      %get3A_267 = arith.index_cast %add3A_266 : i32 to index
      %get3A_268 = tpu.vector_load %arg5[%get3A_267] {strides = array<i32>} : memref<16384xi32, #tpu.memory_space<vmem>>, vector<16xi32>,
      %sub3A_269 = vector.broadcast %mul3A_0 : i32 to vector<16xi32>
      %sub3A_270 = arith.subi %get3A_268, %sub3A_269 : vector<16xi32>
      %lt3A_271 = vector.broadcast %scan3A : i32 to vector<16xi32>
      %lt3A_272 = arith.cmpi ult, %sub3A_270, %lt3A_271 : vector<16xi32>
      tpu.vector_store_idx %arg7[%sub3A_270], %add3A_20 masked %lt3A_272 : memref<50000xi32, #tpu.memory_space<vmem>>[vector<16xi32>], vector<16xi32>, vector<16xi1>
      %add3A_273 = arith.constant 112 : i32
      %add3A_274 = arith.addi %mul3A_216, %add3A_273 : i32
      %get3A_275 = arith.index_cast %add3A_274 : i32 to index
      %get3A_276 = tpu.vector_load %arg5[%get3A_275] {strides = array<i32>} : memref<16384xi32, #tpu.memory_space<vmem>>, vector<16xi32>,
      %sub3A_277 = vector.broadcast %mul3A_0 : i32 to vector<16xi32>
      %sub3A_278 = arith.subi %get3A_276, %sub3A_277 : vector<16xi32>
      %lt3A_279 = vector.broadcast %scan3A : i32 to vector<16xi32>
      %lt3A_280 = arith.cmpi ult, %sub3A_278, %lt3A_279 : vector<16xi32>
      tpu.vector_store_idx %arg7[%sub3A_278], %add3A_23 masked %lt3A_280 : memref<50000xi32, #tpu.memory_space<vmem>>[vector<16xi32>], vector<16xi32>, vector<16xi1>
      %add3A_281 = arith.constant 128 : i32
      %add3A_282 = arith.addi %mul3A_216, %add3A_281 : i32
      %get3A_283 = arith.index_cast %add3A_282 : i32 to index
      %get3A_284 = tpu.vector_load %arg5[%get3A_283] {strides = array<i32>} : memref<16384xi32, #tpu.memory_space<vmem>>, vector<16xi32>,
      %sub3A_285 = vector.broadcast %mul3A_0 : i32 to vector<16xi32>
      %sub3A_286 = arith.subi %get3A_284, %sub3A_285 : vector<16xi32>
      %lt3A_287 = vector.broadcast %scan3A : i32 to vector<16xi32>
      %lt3A_288 = arith.cmpi ult, %sub3A_286, %lt3A_287 : vector<16xi32>
      tpu.vector_store_idx %arg7[%sub3A_286], %add3A_26 masked %lt3A_288 : memref<50000xi32, #tpu.memory_space<vmem>>[vector<16xi32>], vector<16xi32>, vector<16xi1>
      %add3A_289 = arith.constant 144 : i32
      %add3A_290 = arith.addi %mul3A_216, %add3A_289 : i32
      %get3A_291 = arith.index_cast %add3A_290 : i32 to index
      %get3A_292 = tpu.vector_load %arg5[%get3A_291] {strides = array<i32>} : memref<16384xi32, #tpu.memory_space<vmem>>, vector<16xi32>,
      %sub3A_293 = vector.broadcast %mul3A_0 : i32 to vector<16xi32>
      %sub3A_294 = arith.subi %get3A_292, %sub3A_293 : vector<16xi32>
      %lt3A_295 = vector.broadcast %scan3A : i32 to vector<16xi32>
      %lt3A_296 = arith.cmpi ult, %sub3A_294, %lt3A_295 : vector<16xi32>
      tpu.vector_store_idx %arg7[%sub3A_294], %add3A_29 masked %lt3A_296 : memref<50000xi32, #tpu.memory_space<vmem>>[vector<16xi32>], vector<16xi32>, vector<16xi1>
      %add3A_297 = arith.constant 160 : i32
      %add3A_298 = arith.addi %mul3A_216, %add3A_297 : i32
      %get3A_299 = arith.index_cast %add3A_298 : i32 to index
      %get3A_300 = tpu.vector_load %arg5[%get3A_299] {strides = array<i32>} : memref<16384xi32, #tpu.memory_space<vmem>>, vector<16xi32>,
      %sub3A_301 = vector.broadcast %mul3A_0 : i32 to vector<16xi32>
      %sub3A_302 = arith.subi %get3A_300, %sub3A_301 : vector<16xi32>
      %lt3A_303 = vector.broadcast %scan3A : i32 to vector<16xi32>
      %lt3A_304 = arith.cmpi ult, %sub3A_302, %lt3A_303 : vector<16xi32>
      tpu.vector_store_idx %arg7[%sub3A_302], %add3A_32 masked %lt3A_304 : memref<50000xi32, #tpu.memory_space<vmem>>[vector<16xi32>], vector<16xi32>, vector<16xi1>
      %add3A_305 = arith.constant 176 : i32
      %add3A_306 = arith.addi %mul3A_216, %add3A_305 : i32
      %get3A_307 = arith.index_cast %add3A_306 : i32 to index
      %get3A_308 = tpu.vector_load %arg5[%get3A_307] {strides = array<i32>} : memref<16384xi32, #tpu.memory_space<vmem>>, vector<16xi32>,
      %sub3A_309 = vector.broadcast %mul3A_0 : i32 to vector<16xi32>
      %sub3A_310 = arith.subi %get3A_308, %sub3A_309 : vector<16xi32>
      %lt3A_311 = vector.broadcast %scan3A : i32 to vector<16xi32>
      %lt3A_312 = arith.cmpi ult, %sub3A_310, %lt3A_311 : vector<16xi32>
      tpu.vector_store_idx %arg7[%sub3A_310], %add3A_35 masked %lt3A_312 : memref<50000xi32, #tpu.memory_space<vmem>>[vector<16xi32>], vector<16xi32>, vector<16xi1>
      %add3A_313 = arith.constant 192 : i32
      %add3A_314 = arith.addi %mul3A_216, %add3A_313 : i32
      %get3A_315 = arith.index_cast %add3A_314 : i32 to index
      %get3A_316 = tpu.vector_load %arg5[%get3A_315] {strides = array<i32>} : memref<16384xi32, #tpu.memory_space<vmem>>, vector<16xi32>,
      %sub3A_317 = vector.broadcast %mul3A_0 : i32 to vector<16xi32>
      %sub3A_318 = arith.subi %get3A_316, %sub3A_317 : vector<16xi32>
      %lt3A_319 = vector.broadcast %scan3A : i32 to vector<16xi32>
      %lt3A_320 = arith.cmpi ult, %sub3A_318, %lt3A_319 : vector<16xi32>
      %lt3A_321 = arith.constant 200 : i32
      %lt3A_322 = vector.broadcast %lt3A_321 : i32 to vector<16xi32>
      %lt3A_323 = arith.cmpi slt, %add3A_38, %lt3A_322 : vector<16xi32>
      %and3A_324 = arith.andi %lt3A_320, %lt3A_323 : vector<16xi1>
      tpu.vector_store_idx %arg7[%sub3A_318], %add3A_38 masked %and3A_324 : memref<50000xi32, #tpu.memory_space<vmem>>[vector<16xi32>], vector<16xi32>, vector<16xi1>
      %broadcast_in_dim3A_325 = arith.constant 0.000000e+00 : f32
      %broadcast_in_dim3A_326 = vector.broadcast %broadcast_in_dim3A_325 : f32 to vector<16xf32>
      %broadcast_in_dim3A_327 = arith.constant 0.000000e+00 : f32
      %broadcast_in_dim3A_328 = vector.broadcast %broadcast_in_dim3A_327 : f32 to vector<16xf32>
      %broadcast_in_dim3A_329 = arith.constant 0.000000e+00 : f32
      %broadcast_in_dim3A_330 = vector.broadcast %broadcast_in_dim3A_329 : f32 to vector<16xf32>
      %broadcast_in_dim3A_331 = arith.constant 0.000000e+00 : f32
      %broadcast_in_dim3A_332 = vector.broadcast %broadcast_in_dim3A_331 : f32 to vector<16xf32>
      %gather3A_333 = tpu.vector_load_idx %arg6[%sub3A_77] masked %and3A_178 : memref<50000xf32, #tpu.memory_space<vmem>>[vector<16xi32>], vector<16xf32>, vector<16xi1>
      %jit3A = arith.constant 0.000000e+00 : f32
      %broadcast_in_dim3A_334 = vector.broadcast %jit3A : f32 to vector<16xf32>
      %select_n3A = arith.select %and3A_178, %gather3A_333, %broadcast_in_dim3A_334 : vector<16xi1>, vector<16xf32>
      %add3A_335 = arith.addf %broadcast_in_dim3A_326, %select_n3A : vector<16xf32>
      %gather3A_336 = tpu.vector_load_idx %arg6[%sub3A_84] masked %and3A_181 : memref<50000xf32, #tpu.memory_space<vmem>>[vector<16xi32>], vector<16xf32>, vector<16xi1>
      %jit3A_337 = arith.constant 0.000000e+00 : f32
      %broadcast_in_dim3A_338 = vector.broadcast %jit3A_337 : f32 to vector<16xf32>
      %select_n3A_339 = arith.select %and3A_181, %gather3A_336, %broadcast_in_dim3A_338 : vector<16xi1>, vector<16xf32>
      %add3A_340 = arith.addf %broadcast_in_dim3A_328, %select_n3A_339 : vector<16xf32>
      %gather3A_341 = tpu.vector_load_idx %arg6[%sub3A_92] masked %and3A_184 : memref<50000xf32, #tpu.memory_space<vmem>>[vector<16xi32>], vector<16xf32>, vector<16xi1>
      %jit3A_342 = arith.constant 0.000000e+00 : f32
      %broadcast_in_dim3A_343 = vector.broadcast %jit3A_342 : f32 to vector<16xf32>
      %select_n3A_344 = arith.select %and3A_184, %gather3A_341, %broadcast_in_dim3A_343 : vector<16xi1>, vector<16xf32>
      %add3A_345 = arith.addf %broadcast_in_dim3A_330, %select_n3A_344 : vector<16xf32>
      %gather3A_346 = tpu.vector_load_idx %arg6[%sub3A_100] masked %and3A_187 : memref<50000xf32, #tpu.memory_space<vmem>>[vector<16xi32>], vector<16xf32>, vector<16xi1>
      %jit3A_347 = arith.constant 0.000000e+00 : f32
      %broadcast_in_dim3A_348 = vector.broadcast %jit3A_347 : f32 to vector<16xf32>
      %select_n3A_349 = arith.select %and3A_187, %gather3A_346, %broadcast_in_dim3A_348 : vector<16xi1>, vector<16xf32>
      %add3A_350 = arith.addf %broadcast_in_dim3A_332, %select_n3A_349 : vector<16xf32>
      %gather3A_351 = tpu.vector_load_idx %arg6[%sub3A_108] masked %and3A_190 : memref<50000xf32, #tpu.memory_space<vmem>>[vector<16xi32>], vector<16xf32>, vector<16xi1>
      %jit3A_352 = arith.constant 0.000000e+00 : f32
      %broadcast_in_dim3A_353 = vector.broadcast %jit3A_352 : f32 to vector<16xf32>
      %select_n3A_354 = arith.select %and3A_190, %gather3A_351, %broadcast_in_dim3A_353 : vector<16xi1>, vector<16xf32>
      %add3A_355 = arith.addf %add3A_335, %select_n3A_354 : vector<16xf32>
      %gather3A_356 = tpu.vector_load_idx %arg6[%sub3A_116] masked %and3A_193 : memref<50000xf32, #tpu.memory_space<vmem>>[vector<16xi32>], vector<16xf32>, vector<16xi1>
      %jit3A_357 = arith.constant 0.000000e+00 : f32
      %broadcast_in_dim3A_358 = vector.broadcast %jit3A_357 : f32 to vector<16xf32>
      %select_n3A_359 = arith.select %and3A_193, %gather3A_356, %broadcast_in_dim3A_358 : vector<16xi1>, vector<16xf32>
      %add3A_360 = arith.addf %add3A_340, %select_n3A_359 : vector<16xf32>
      %gather3A_361 = tpu.vector_load_idx %arg6[%sub3A_124] masked %and3A_196 : memref<50000xf32, #tpu.memory_space<vmem>>[vector<16xi32>], vector<16xf32>, vector<16xi1>
      %jit3A_362 = arith.constant 0.000000e+00 : f32
      %broadcast_in_dim3A_363 = vector.broadcast %jit3A_362 : f32 to vector<16xf32>
      %select_n3A_364 = arith.select %and3A_196, %gather3A_361, %broadcast_in_dim3A_363 : vector<16xi1>, vector<16xf32>
      %add3A_365 = arith.addf %add3A_345, %select_n3A_364 : vector<16xf32>
      %gather3A_366 = tpu.vector_load_idx %arg6[%sub3A_132] masked %and3A_199 : memref<50000xf32, #tpu.memory_space<vmem>>[vector<16xi32>], vector<16xf32>, vector<16xi1>
      %jit3A_367 = arith.constant 0.000000e+00 : f32
      %broadcast_in_dim3A_368 = vector.broadcast %jit3A_367 : f32 to vector<16xf32>
      %select_n3A_369 = arith.select %and3A_199, %gather3A_366, %broadcast_in_dim3A_368 : vector<16xi1>, vector<16xf32>
      %add3A_370 = arith.addf %add3A_350, %select_n3A_369 : vector<16xf32>
      %gather3A_371 = tpu.vector_load_idx %arg6[%sub3A_140] masked %and3A_202 : memref<50000xf32, #tpu.memory_space<vmem>>[vector<16xi32>], vector<16xf32>, vector<16xi1>
      %jit3A_372 = arith.constant 0.000000e+00 : f32
      %broadcast_in_dim3A_373 = vector.broadcast %jit3A_372 : f32 to vector<16xf32>
      %select_n3A_374 = arith.select %and3A_202, %gather3A_371, %broadcast_in_dim3A_373 : vector<16xi1>, vector<16xf32>
      %add3A_375 = arith.addf %add3A_355, %select_n3A_374 : vector<16xf32>
      %gather3A_376 = tpu.vector_load_idx %arg6[%sub3A_148] masked %and3A_205 : memref<50000xf32, #tpu.memory_space<vmem>>[vector<16xi32>], vector<16xf32>, vector<16xi1>
      %jit3A_377 = arith.constant 0.000000e+00 : f32
      %broadcast_in_dim3A_378 = vector.broadcast %jit3A_377 : f32 to vector<16xf32>
      %select_n3A_379 = arith.select %and3A_205, %gather3A_376, %broadcast_in_dim3A_378 : vector<16xi1>, vector<16xf32>
      %add3A_380 = arith.addf %add3A_360, %select_n3A_379 : vector<16xf32>
      %gather3A_381 = tpu.vector_load_idx %arg6[%sub3A_156] masked %and3A_208 : memref<50000xf32, #tpu.memory_space<vmem>>[vector<16xi32>], vector<16xf32>, vector<16xi1>
      %jit3A_382 = arith.constant 0.000000e+00 : f32
      %broadcast_in_dim3A_383 = vector.broadcast %jit3A_382 : f32 to vector<16xf32>
      %select_n3A_384 = arith.select %and3A_208, %gather3A_381, %broadcast_in_dim3A_383 : vector<16xi1>, vector<16xf32>
      %add3A_385 = arith.addf %add3A_365, %select_n3A_384 : vector<16xf32>
      %gather3A_386 = tpu.vector_load_idx %arg6[%sub3A_164] masked %and3A_211 : memref<50000xf32, #tpu.memory_space<vmem>>[vector<16xi32>], vector<16xf32>, vector<16xi1>
      %jit3A_387 = arith.constant 0.000000e+00 : f32
      %broadcast_in_dim3A_388 = vector.broadcast %jit3A_387 : f32 to vector<16xf32>
      %select_n3A_389 = arith.select %and3A_211, %gather3A_386, %broadcast_in_dim3A_388 : vector<16xi1>, vector<16xf32>
      %add3A_390 = arith.addf %add3A_370, %select_n3A_389 : vector<16xf32>
      %gather3A_391 = tpu.vector_load_idx %arg6[%sub3A_172] masked %and3A_214 : memref<50000xf32, #tpu.memory_space<vmem>>[vector<16xi32>], vector<16xf32>, vector<16xi1>
      %jit3A_392 = arith.constant 0.000000e+00 : f32
      %broadcast_in_dim3A_393 = vector.broadcast %jit3A_392 : f32 to vector<16xf32>
      %select_n3A_394 = arith.select %and3A_214, %gather3A_391, %broadcast_in_dim3A_393 : vector<16xi1>, vector<16xf32>
      %add3A_395 = arith.addf %add3A_375, %select_n3A_394 : vector<16xf32>
      %add3A_396 = arith.addf %add3A_395, %add3A_380 : vector<16xf32>
      %add3A_397 = arith.addf %add3A_385, %add3A_390 : vector<16xf32>
      %add3A_398 = arith.addf %add3A_396, %add3A_397 : vector<16xf32>
      %reduce_sum3A = arith.constant true
      %reduce_sum3A_399 = vector.broadcast %reduce_sum3A : i1 to vector<16xi1>
      %reduce_sum3A_400 = tpu.scan <sum>, %add3A_398 masked %reduce_sum3A_399 : vector<16xf32>, vector<16xi1> -> vector<16xf32>
      %reduce_sum3A_401 = vector.extract %reduce_sum3A_400[15] : f32 from vector<16xf32>
      %sub3A_402 = arith.constant 0 : i32
      %sub3A_403 = arith.subi %mul3A_67, %sub3A_402 : i32
      %eq3A_404 = vector.broadcast %sub3A_403 : i32 to vector<16xi32>
      %eq3A_405 = arith.cmpi eq, %iota3A, %eq3A_404 : vector<16xi32>
      %add3A_406 = vector.broadcast %reduce_sum3A_401 : f32 to vector<16xf32>
      %add3A_407 = arith.addf %scan3A_62, %add3A_406 : vector<16xf32>
      %select_n3A_408 = arith.select %eq3A_405, %add3A_407, %scan3A_62 : vector<16xi1>, vector<16xf32>
      %sub3A_409 = arith.constant 16 : i32
      %sub3A_410 = arith.subi %mul3A_67, %sub3A_409 : i32
      %eq3A_411 = vector.broadcast %sub3A_410 : i32 to vector<16xi32>
      %eq3A_412 = arith.cmpi eq, %iota3A, %eq3A_411 : vector<16xi32>
      %add3A_413 = vector.broadcast %reduce_sum3A_401 : f32 to vector<16xf32>
      %add3A_414 = arith.addf %scan3A_63, %add3A_413 : vector<16xf32>
      %select_n3A_415 = arith.select %eq3A_412, %add3A_414, %scan3A_63 : vector<16xi1>, vector<16xf32>
      %sub3A_416 = arith.constant 32 : i32
      %sub3A_417 = arith.subi %mul3A_67, %sub3A_416 : i32
      %eq3A_418 = vector.broadcast %sub3A_417 : i32 to vector<16xi32>
      %eq3A_419 = arith.cmpi eq, %iota3A, %eq3A_418 : vector<16xi32>
      %add3A_420 = vector.broadcast %reduce_sum3A_401 : f32 to vector<16xf32>
      %add3A_421 = arith.addf %scan3A_64, %add3A_420 : vector<16xf32>
      %select_n3A_422 = arith.select %eq3A_419, %add3A_421, %scan3A_64 : vector<16xi1>, vector<16xf32>
      %sub3A_423 = arith.constant 48 : i32
      %sub3A_424 = arith.subi %mul3A_67, %sub3A_423 : i32
      %eq3A_425 = vector.broadcast %sub3A_424 : i32 to vector<16xi32>
      %eq3A_426 = arith.cmpi eq, %iota3A, %eq3A_425 : vector<16xi32>
      %add3A_427 = vector.broadcast %reduce_sum3A_401 : f32 to vector<16xf32>
      %add3A_428 = arith.addf %scan3A_65, %add3A_427 : vector<16xf32>
      %select_n3A_429 = arith.select %eq3A_426, %add3A_428, %scan3A_65 : vector<16xi1>, vector<16xf32>
      %gather3A_430 = tpu.vector_load_idx %arg7[%sub3A_222] masked %lt3A_224 : memref<50000xi32, #tpu.memory_space<vmem>>[vector<16xi32>], vector<16xi32>, vector<16xi1>
      %eq3A_431 = arith.cmpi eq, %gather3A_430, %add3A_2 : vector<16xi32>
      %and3A_432 = arith.andi %lt3A_224, %eq3A_431 : vector<16xi1>
      %gather3A_433 = tpu.vector_load_idx %arg7[%sub3A_230] masked %lt3A_232 : memref<50000xi32, #tpu.memory_space<vmem>>[vector<16xi32>], vector<16xi32>, vector<16xi1>
      %eq3A_434 = arith.cmpi eq, %gather3A_433, %add3A_5 : vector<16xi32>
      %and3A_435 = arith.andi %lt3A_232, %eq3A_434 : vector<16xi1>
      %gather3A_436 = tpu.vector_load_idx %arg7[%sub3A_238] masked %lt3A_240 : memref<50000xi32, #tpu.memory_space<vmem>>[vector<16xi32>], vector<16xi32>, vector<16xi1>
      %eq3A_437 = arith.cmpi eq, %gather3A_436, %add3A_8 : vector<16xi32>
      %and3A_438 = arith.andi %lt3A_240, %eq3A_437 : vector<16xi1>
      %gather3A_439 = tpu.vector_load_idx %arg7[%sub3A_246] masked %lt3A_248 : memref<50000xi32, #tpu.memory_space<vmem>>[vector<16xi32>], vector<16xi32>, vector<16xi1>
      %eq3A_440 = arith.cmpi eq, %gather3A_439, %add3A_11 : vector<16xi32>
      %and3A_441 = arith.andi %lt3A_248, %eq3A_440 : vector<16xi1>
      %gather3A_442 = tpu.vector_load_idx %arg7[%sub3A_254] masked %lt3A_256 : memref<50000xi32, #tpu.memory_space<vmem>>[vector<16xi32>], vector<16xi32>, vector<16xi1>
      %eq3A_443 = arith.cmpi eq, %gather3A_442, %add3A_14 : vector<16xi32>
      %and3A_444 = arith.andi %lt3A_256, %eq3A_443 : vector<16xi1>
      %gather3A_445 = tpu.vector_load_idx %arg7[%sub3A_262] masked %lt3A_264 : memref<50000xi32, #tpu.memory_space<vmem>>[vector<16xi32>], vector<16xi32>, vector<16xi1>
      %eq3A_446 = arith.cmpi eq, %gather3A_445, %add3A_17 : vector<16xi32>
      %and3A_447 = arith.andi %lt3A_264, %eq3A_446 : vector<16xi1>
      %gather3A_448 = tpu.vector_load_idx %arg7[%sub3A_270] masked %lt3A_272 : memref<50000xi32, #tpu.memory_space<vmem>>[vector<16xi32>], vector<16xi32>, vector<16xi1>
      %eq3A_449 = arith.cmpi eq, %gather3A_448, %add3A_20 : vector<16xi32>
      %and3A_450 = arith.andi %lt3A_272, %eq3A_449 : vector<16xi1>
      %gather3A_451 = tpu.vector_load_idx %arg7[%sub3A_278] masked %lt3A_280 : memref<50000xi32, #tpu.memory_space<vmem>>[vector<16xi32>], vector<16xi32>, vector<16xi1>
      %eq3A_452 = arith.cmpi eq, %gather3A_451, %add3A_23 : vector<16xi32>
      %and3A_453 = arith.andi %lt3A_280, %eq3A_452 : vector<16xi1>
      %gather3A_454 = tpu.vector_load_idx %arg7[%sub3A_286] masked %lt3A_288 : memref<50000xi32, #tpu.memory_space<vmem>>[vector<16xi32>], vector<16xi32>, vector<16xi1>
      %eq3A_455 = arith.cmpi eq, %gather3A_454, %add3A_26 : vector<16xi32>
      %and3A_456 = arith.andi %lt3A_288, %eq3A_455 : vector<16xi1>
      %gather3A_457 = tpu.vector_load_idx %arg7[%sub3A_294] masked %lt3A_296 : memref<50000xi32, #tpu.memory_space<vmem>>[vector<16xi32>], vector<16xi32>, vector<16xi1>
      %eq3A_458 = arith.cmpi eq, %gather3A_457, %add3A_29 : vector<16xi32>
      %and3A_459 = arith.andi %lt3A_296, %eq3A_458 : vector<16xi1>
      %gather3A_460 = tpu.vector_load_idx %arg7[%sub3A_302] masked %lt3A_304 : memref<50000xi32, #tpu.memory_space<vmem>>[vector<16xi32>], vector<16xi32>, vector<16xi1>
      %eq3A_461 = arith.cmpi eq, %gather3A_460, %add3A_32 : vector<16xi32>
      %and3A_462 = arith.andi %lt3A_304, %eq3A_461 : vector<16xi1>
      %gather3A_463 = tpu.vector_load_idx %arg7[%sub3A_310] masked %lt3A_312 : memref<50000xi32, #tpu.memory_space<vmem>>[vector<16xi32>], vector<16xi32>, vector<16xi1>
      %eq3A_464 = arith.cmpi eq, %gather3A_463, %add3A_35 : vector<16xi32>
      %and3A_465 = arith.andi %lt3A_312, %eq3A_464 : vector<16xi1>
      %gather3A_466 = tpu.vector_load_idx %arg7[%sub3A_318] masked %and3A_324 : memref<50000xi32, #tpu.memory_space<vmem>>[vector<16xi32>], vector<16xi32>, vector<16xi1>
      %eq3A_467 = arith.cmpi eq, %gather3A_466, %add3A_38 : vector<16xi32>
      %and3A_468 = arith.andi %and3A_324, %eq3A_467 : vector<16xi1>
      %broadcast_in_dim3A_469 = arith.constant 0.000000e+00 : f32
      %broadcast_in_dim3A_470 = vector.broadcast %broadcast_in_dim3A_469 : f32 to vector<16xf32>
      %broadcast_in_dim3A_471 = arith.constant 0.000000e+00 : f32
      %broadcast_in_dim3A_472 = vector.broadcast %broadcast_in_dim3A_471 : f32 to vector<16xf32>
      %broadcast_in_dim3A_473 = arith.constant 0.000000e+00 : f32
      %broadcast_in_dim3A_474 = vector.broadcast %broadcast_in_dim3A_473 : f32 to vector<16xf32>
      %broadcast_in_dim3A_475 = arith.constant 0.000000e+00 : f32
      %broadcast_in_dim3A_476 = vector.broadcast %broadcast_in_dim3A_475 : f32 to vector<16xf32>
      %gather3A_477 = tpu.vector_load_idx %arg6[%sub3A_222] masked %and3A_432 : memref<50000xf32, #tpu.memory_space<vmem>>[vector<16xi32>], vector<16xf32>, vector<16xi1>
      %jit3A_478 = arith.constant 0.000000e+00 : f32
      %broadcast_in_dim3A_479 = vector.broadcast %jit3A_478 : f32 to vector<16xf32>
      %select_n3A_480 = arith.select %and3A_432, %gather3A_477, %broadcast_in_dim3A_479 : vector<16xi1>, vector<16xf32>
      %add3A_481 = arith.addf %broadcast_in_dim3A_470, %select_n3A_480 : vector<16xf32>
      %gather3A_482 = tpu.vector_load_idx %arg6[%sub3A_230] masked %and3A_435 : memref<50000xf32, #tpu.memory_space<vmem>>[vector<16xi32>], vector<16xf32>, vector<16xi1>
      %jit3A_483 = arith.constant 0.000000e+00 : f32
      %broadcast_in_dim3A_484 = vector.broadcast %jit3A_483 : f32 to vector<16xf32>
      %select_n3A_485 = arith.select %and3A_435, %gather3A_482, %broadcast_in_dim3A_484 : vector<16xi1>, vector<16xf32>
      %add3A_486 = arith.addf %broadcast_in_dim3A_472, %select_n3A_485 : vector<16xf32>
      %gather3A_487 = tpu.vector_load_idx %arg6[%sub3A_238] masked %and3A_438 : memref<50000xf32, #tpu.memory_space<vmem>>[vector<16xi32>], vector<16xf32>, vector<16xi1>
      %jit3A_488 = arith.constant 0.000000e+00 : f32
      %broadcast_in_dim3A_489 = vector.broadcast %jit3A_488 : f32 to vector<16xf32>
      %select_n3A_490 = arith.select %and3A_438, %gather3A_487, %broadcast_in_dim3A_489 : vector<16xi1>, vector<16xf32>
      %add3A_491 = arith.addf %broadcast_in_dim3A_474, %select_n3A_490 : vector<16xf32>
      %gather3A_492 = tpu.vector_load_idx %arg6[%sub3A_246] masked %and3A_441 : memref<50000xf32, #tpu.memory_space<vmem>>[vector<16xi32>], vector<16xf32>, vector<16xi1>
      %jit3A_493 = arith.constant 0.000000e+00 : f32
      %broadcast_in_dim3A_494 = vector.broadcast %jit3A_493 : f32 to vector<16xf32>
      %select_n3A_495 = arith.select %and3A_441, %gather3A_492, %broadcast_in_dim3A_494 : vector<16xi1>, vector<16xf32>
      %add3A_496 = arith.addf %broadcast_in_dim3A_476, %select_n3A_495 : vector<16xf32>
      %gather3A_497 = tpu.vector_load_idx %arg6[%sub3A_254] masked %and3A_444 : memref<50000xf32, #tpu.memory_space<vmem>>[vector<16xi32>], vector<16xf32>, vector<16xi1>
      %jit3A_498 = arith.constant 0.000000e+00 : f32
      %broadcast_in_dim3A_499 = vector.broadcast %jit3A_498 : f32 to vector<16xf32>
      %select_n3A_500 = arith.select %and3A_444, %gather3A_497, %broadcast_in_dim3A_499 : vector<16xi1>, vector<16xf32>
      %add3A_501 = arith.addf %add3A_481, %select_n3A_500 : vector<16xf32>
      %gather3A_502 = tpu.vector_load_idx %arg6[%sub3A_262] masked %and3A_447 : memref<50000xf32, #tpu.memory_space<vmem>>[vector<16xi32>], vector<16xf32>, vector<16xi1>
      %jit3A_503 = arith.constant 0.000000e+00 : f32
      %broadcast_in_dim3A_504 = vector.broadcast %jit3A_503 : f32 to vector<16xf32>
      %select_n3A_505 = arith.select %and3A_447, %gather3A_502, %broadcast_in_dim3A_504 : vector<16xi1>, vector<16xf32>
      %add3A_506 = arith.addf %add3A_486, %select_n3A_505 : vector<16xf32>
      %gather3A_507 = tpu.vector_load_idx %arg6[%sub3A_270] masked %and3A_450 : memref<50000xf32, #tpu.memory_space<vmem>>[vector<16xi32>], vector<16xf32>, vector<16xi1>
      %jit3A_508 = arith.constant 0.000000e+00 : f32
      %broadcast_in_dim3A_509 = vector.broadcast %jit3A_508 : f32 to vector<16xf32>
      %select_n3A_510 = arith.select %and3A_450, %gather3A_507, %broadcast_in_dim3A_509 : vector<16xi1>, vector<16xf32>
      %add3A_511 = arith.addf %add3A_491, %select_n3A_510 : vector<16xf32>
      %gather3A_512 = tpu.vector_load_idx %arg6[%sub3A_278] masked %and3A_453 : memref<50000xf32, #tpu.memory_space<vmem>>[vector<16xi32>], vector<16xf32>, vector<16xi1>
      %jit3A_513 = arith.constant 0.000000e+00 : f32
      %broadcast_in_dim3A_514 = vector.broadcast %jit3A_513 : f32 to vector<16xf32>
      %select_n3A_515 = arith.select %and3A_453, %gather3A_512, %broadcast_in_dim3A_514 : vector<16xi1>, vector<16xf32>
      %add3A_516 = arith.addf %add3A_496, %select_n3A_515 : vector<16xf32>
      %gather3A_517 = tpu.vector_load_idx %arg6[%sub3A_286] masked %and3A_456 : memref<50000xf32, #tpu.memory_space<vmem>>[vector<16xi32>], vector<16xf32>, vector<16xi1>
      %jit3A_518 = arith.constant 0.000000e+00 : f32
      %broadcast_in_dim3A_519 = vector.broadcast %jit3A_518 : f32 to vector<16xf32>
      %select_n3A_520 = arith.select %and3A_456, %gather3A_517, %broadcast_in_dim3A_519 : vector<16xi1>, vector<16xf32>
      %add3A_521 = arith.addf %add3A_501, %select_n3A_520 : vector<16xf32>
      %gather3A_522 = tpu.vector_load_idx %arg6[%sub3A_294] masked %and3A_459 : memref<50000xf32, #tpu.memory_space<vmem>>[vector<16xi32>], vector<16xf32>, vector<16xi1>
      %jit3A_523 = arith.constant 0.000000e+00 : f32
      %broadcast_in_dim3A_524 = vector.broadcast %jit3A_523 : f32 to vector<16xf32>
      %select_n3A_525 = arith.select %and3A_459, %gather3A_522, %broadcast_in_dim3A_524 : vector<16xi1>, vector<16xf32>
      %add3A_526 = arith.addf %add3A_506, %select_n3A_525 : vector<16xf32>
      %gather3A_527 = tpu.vector_load_idx %arg6[%sub3A_302] masked %and3A_462 : memref<50000xf32, #tpu.memory_space<vmem>>[vector<16xi32>], vector<16xf32>, vector<16xi1>
      %jit3A_528 = arith.constant 0.000000e+00 : f32
      %broadcast_in_dim3A_529 = vector.broadcast %jit3A_528 : f32 to vector<16xf32>
      %select_n3A_530 = arith.select %and3A_462, %gather3A_527, %broadcast_in_dim3A_529 : vector<16xi1>, vector<16xf32>
      %add3A_531 = arith.addf %add3A_511, %select_n3A_530 : vector<16xf32>
      %gather3A_532 = tpu.vector_load_idx %arg6[%sub3A_310] masked %and3A_465 : memref<50000xf32, #tpu.memory_space<vmem>>[vector<16xi32>], vector<16xf32>, vector<16xi1>
      %jit3A_533 = arith.constant 0.000000e+00 : f32
      %broadcast_in_dim3A_534 = vector.broadcast %jit3A_533 : f32 to vector<16xf32>
      %select_n3A_535 = arith.select %and3A_465, %gather3A_532, %broadcast_in_dim3A_534 : vector<16xi1>, vector<16xf32>
      %add3A_536 = arith.addf %add3A_516, %select_n3A_535 : vector<16xf32>
      %gather3A_537 = tpu.vector_load_idx %arg6[%sub3A_318] masked %and3A_468 : memref<50000xf32, #tpu.memory_space<vmem>>[vector<16xi32>], vector<16xf32>, vector<16xi1>
      %jit3A_538 = arith.constant 0.000000e+00 : f32
      %broadcast_in_dim3A_539 = vector.broadcast %jit3A_538 : f32 to vector<16xf32>
      %select_n3A_540 = arith.select %and3A_468, %gather3A_537, %broadcast_in_dim3A_539 : vector<16xi1>, vector<16xf32>
      %add3A_541 = arith.addf %add3A_521, %select_n3A_540 : vector<16xf32>
      %add3A_542 = arith.addf %add3A_541, %add3A_526 : vector<16xf32>
      %add3A_543 = arith.addf %add3A_531, %add3A_536 : vector<16xf32>
      %add3A_544 = arith.addf %add3A_542, %add3A_543 : vector<16xf32>
      %reduce_sum3A_545 = arith.constant true
      %reduce_sum3A_546 = vector.broadcast %reduce_sum3A_545 : i1 to vector<16xi1>
      %reduce_sum3A_547 = tpu.scan <sum>, %add3A_544 masked %reduce_sum3A_546 : vector<16xf32>, vector<16xi1> -> vector<16xf32>
      %reduce_sum3A_548 = vector.extract %reduce_sum3A_547[15] : f32 from vector<16xf32>
      %sub3A_549 = arith.constant 0 : i32
      %sub3A_550 = arith.subi %add3A_71, %sub3A_549 : i32
      %eq3A_551 = vector.broadcast %sub3A_550 : i32 to vector<16xi32>
      %eq3A_552 = arith.cmpi eq, %iota3A, %eq3A_551 : vector<16xi32>
      %add3A_553 = vector.broadcast %reduce_sum3A_548 : f32 to vector<16xf32>
      %add3A_554 = arith.addf %select_n3A_408, %add3A_553 : vector<16xf32>
      %select_n3A_555 = arith.select %eq3A_552, %add3A_554, %select_n3A_408 : vector<16xi1>, vector<16xf32>
      %sub3A_556 = arith.constant 16 : i32
      %sub3A_557 = arith.subi %add3A_71, %sub3A_556 : i32
      %eq3A_558 = vector.broadcast %sub3A_557 : i32 to vector<16xi32>
      %eq3A_559 = arith.cmpi eq, %iota3A, %eq3A_558 : vector<16xi32>
      %add3A_560 = vector.broadcast %reduce_sum3A_548 : f32 to vector<16xf32>
      %add3A_561 = arith.addf %select_n3A_415, %add3A_560 : vector<16xf32>
      %select_n3A_562 = arith.select %eq3A_559, %add3A_561, %select_n3A_415 : vector<16xi1>, vector<16xf32>
      %sub3A_563 = arith.constant 32 : i32
      %sub3A_564 = arith.subi %add3A_71, %sub3A_563 : i32
      %eq3A_565 = vector.broadcast %sub3A_564 : i32 to vector<16xi32>
      %eq3A_566 = arith.cmpi eq, %iota3A, %eq3A_565 : vector<16xi32>
      %add3A_567 = vector.broadcast %reduce_sum3A_548 : f32 to vector<16xf32>
      %add3A_568 = arith.addf %select_n3A_422, %add3A_567 : vector<16xf32>
      %select_n3A_569 = arith.select %eq3A_566, %add3A_568, %select_n3A_422 : vector<16xi1>, vector<16xf32>
      %sub3A_570 = arith.constant 48 : i32
      %sub3A_571 = arith.subi %add3A_71, %sub3A_570 : i32
      %eq3A_572 = vector.broadcast %sub3A_571 : i32 to vector<16xi32>
      %eq3A_573 = arith.cmpi eq, %iota3A, %eq3A_572 : vector<16xi32>
      %add3A_574 = vector.broadcast %reduce_sum3A_548 : f32 to vector<16xf32>
      %add3A_575 = arith.addf %select_n3A_429, %add3A_574 : vector<16xf32>
      %select_n3A_576 = arith.select %eq3A_573, %add3A_575, %select_n3A_429 : vector<16xi1>, vector<16xf32>
      scf.yield %select_n3A_555, %select_n3A_562, %select_n3A_569, %select_n3A_576 : vector<16xf32>, vector<16xf32>, vector<16xf32>, vector<16xf32>
    }
    %scan3A_51 = arith.constant 32 : i32
    %swap3A = arith.constant 0 : index
    %swap3A_52 = tpu.vector_load %arg8[%swap3A] {strides = array<i32>} : memref<64xf32, #tpu.memory_space<vmem>>, vector<16xf32>,
    tpu.vector_store %arg8[%swap3A], %scan3A_50#0 {strides = array<i32>} : memref<64xf32, #tpu.memory_space<vmem>>, vector<16xf32>,
    %swap3A_53 = arith.constant 16 : index
    %swap3A_54 = tpu.vector_load %arg8[%swap3A_53] {strides = array<i32>} : memref<64xf32, #tpu.memory_space<vmem>>, vector<16xf32>,
    tpu.vector_store %arg8[%swap3A_53], %scan3A_50#1 {strides = array<i32>} : memref<64xf32, #tpu.memory_space<vmem>>, vector<16xf32>,
    %swap3A_55 = arith.constant 32 : index
    %swap3A_56 = tpu.vector_load %arg8[%swap3A_55] {strides = array<i32>} : memref<64xf32, #tpu.memory_space<vmem>>, vector<16xf32>,
    tpu.vector_store %arg8[%swap3A_55], %scan3A_50#2 {strides = array<i32>} : memref<64xf32, #tpu.memory_space<vmem>>, vector<16xf32>,
    %swap3A_57 = arith.constant 48 : index
    %swap3A_58 = tpu.vector_load %arg8[%swap3A_57] {strides = array<i32>} : memref<64xf32, #tpu.memory_space<vmem>>, vector<16xf32>,
    tpu.vector_store %arg8[%swap3A_57], %scan3A_50#3 {strides = array<i32>} : memref<64xf32, #tpu.memory_space<vmem>>, vector<16xf32>,
    %mul3A_59 = arith.constant 64 : i32
    %mul3A_60 = arith.muli %arg1, %mul3A_59 : i32
    "tpu.region"() ({
      %run_scoped3A = tpu.sem_alloc : memref<!tpu.dma_semaphore, #tpu.memory_space<semaphore_mem>>
      %dma_start3A = tpu.memref_slice %arg4[%arg0, %mul3A_60] : memref<2x1024xf32, #tpu.memory_space<hbm>> -> memref<1x64xf32, #tpu.memory_space<hbm>>
      %dma_start3A_61 = tpu.memref_squeeze %dma_start3A : memref<1x64xf32, #tpu.memory_space<hbm>> -> memref<64xf32, #tpu.memory_space<hbm>>
      %dma_start3A_62 = tpu.memref_slice %arg4[%arg0, %mul3A_60] : memref<2x1024xf32, #tpu.memory_space<hbm>> -> memref<1x64xf32, #tpu.memory_space<hbm>>
      %dma_start3A_63 = tpu.memref_squeeze %dma_start3A_62 : memref<1x64xf32, #tpu.memory_space<hbm>> -> memref<64xf32, #tpu.memory_space<hbm>>
      tpu.enqueue_dma source(%arg8 : memref<64xf32, #tpu.memory_space<vmem>>) target(%dma_start3A_63 : memref<64xf32, #tpu.memory_space<hbm>>) target_semaphore(%run_scoped3A : memref<!tpu.dma_semaphore, #tpu.memory_space<semaphore_mem>>)
      %dma_wait3A = tpu.memref_slice %arg4[%arg0, %mul3A_60] : memref<2x1024xf32, #tpu.memory_space<hbm>> -> memref<1x64xf32, #tpu.memory_space<hbm>>
      %dma_wait3A_64 = tpu.memref_squeeze %dma_wait3A : memref<1x64xf32, #tpu.memory_space<hbm>> -> memref<64xf32, #tpu.memory_space<hbm>>
      %dma_wait3A_65 = tpu.memref_slice %arg4[%arg0, %mul3A_60] : memref<2x1024xf32, #tpu.memory_space<hbm>> -> memref<1x64xf32, #tpu.memory_space<hbm>>
      %dma_wait3A_66 = tpu.memref_squeeze %dma_wait3A_65 : memref<1x64xf32, #tpu.memory_space<hbm>> -> memref<64xf32, #tpu.memory_space<hbm>>
      tpu.wait_dma2 semaphore(%run_scoped3A : memref<!tpu.dma_semaphore, #tpu.memory_space<semaphore_mem>>) src(%arg8 : memref<64xf32, #tpu.memory_space<vmem>>) dst(%dma_wait3A_66 : memref<64xf32, #tpu.memory_space<hbm>>)
      tpu.yield
    }) : () -> ()
    return
  }
}

</mosaic_0001>

<sc_bundles>
// kernel: kernel.3.cloned.1.call-start
scs
__scs_entry_jumppad:
0x0: {  	(pc) =	sbr.rel $0x88, $3  }
0x1: {  	(tag) =	ssettag $0x0;
	lr =	simm.s32 $0x1  }
0x2: {  	[smem:$0x3F9E] =	sst lr;
	_ =	strace $0xD0000000  }
0x3: {  	_ = 	snop  }
0x4: {  	_ = 	snop  }
0x5: {  	_ = 	snop  }
0x6: {  	_ = 	snop  }
0x7: {  	_ = 	snop  }
__scs_overlays_trampoline_lowered:
0x8: {  	[smem:$0x3FAD] =	sst s0  }
0x9: {  	[smem:$0x3FAE] =	sst s1  }
0xa: {  	[smem:$0x3FAF] =	sst s2  }
0xb: {  	[smem:$0x3FB0] =	sst s3  }
0xc: {  	[smem:$0x3FB1] =	sst s4  }
0xd: {  	[smem:$0x3FB2] =	sst s5  }
0xe: {  	[smem:$0x3FB3] =	sst s6  }
0xf: {  	[smem:$0x3FB4] =	sst s7  }
0x10: {  	[smem:$0x3FB5] =	sst s8  }
0x11: {  	[smem:$0x3FB6] =	sst s9;
	s0 =	simm.s32 @!p0 $0x0  }
0x12: {  	s1 =	sld [smem:$0x3F9C];
	s0 =	simm.s32 @p0 $0x1  }
0x13: {  	[smem:$0x3FB7] =	sst s0;
	s0 =	simm.s32 @!p1 $0x0  }
0x14: {  	s2 =	sld [smem:$0x3F9B];
	s0 =	simm.s32 @p1 $0x1  }
0x15: {  	[smem:$0x3FB8] =	sst s0;
	s0 =	simm.s32 @!p2 $0x0  }
0x16: {  	s3 =	sld [smem:$0x3FDB];
	s0 =	simm.s32 @p2 $0x1  }
0x17: {  	s4 =	simm.s32 $0x1BF5;
	[smem:$0x3FBA] =	sst s0  }
0x18: {  	s0 =	sld [smem:$0x3F9D];
	_ =	swait.ge [sflag:s4], $0x0  }
0x19: {  	s7 =	sld [smem:$0x3F9E]  }
0x1a: {  	s8 =	sadd.s32 $0xFFFFE003, lr  }
0x1b: {  	s9 =	sadd.s32 $0xFFFFFEF7, lr;
	s5 =	simm.s32 $0xFFFFFFFF;
	p2 =	slt.u32 s8, $0xFFFFF086  }
0x1c: {  	p1 =	slt.u32 s9, $0xF7A;
	s5 =	simm.s32 @!p2 $0x0  }
0x1d: {  	s5 =	simm.s32 @p1 $0x1;
	p0 =	seq.s32 s7, s2  }
0x1e: {  	s7 =	smul.u32 @!p0 $0xF7A, s2;
	p2 =	seq.s32 @!p0 s5, $0x0  }
0x1f: {  	s9 =	smul.u32 $0xF7A, s1;
	s8 =	simm.s32 @!p0 $0x1BF5;
	p2 =	por !p2, p0  }
0x20: {  	[sflag:s8] =	ssyncset.s32 @!p0 $0xFFFFF086;
	s6 =	sadd.s32 @!p0 s3, s7;
	s7 =	simm.s32 @!p0 $0x108  }
0x21: {  	s3 =	sadd.s32 s3, s9;
	s6 =	sadd.s32 @!p0 $0x88, s6;
	s7 =	simm.s32 @p2 $0x1082  }
0x22: {  	[simem:s7], [sflag:s8] =	dma.local @!p0 [hbm:s6], $0xF7A  }
0x23: {  	s9 =	sor.u32 $0xD0000000, s2;
	s6 =	simm.s32 $0x108;
	_ =	swait.ge @!p0 [sflag:s8], $0x0  }
0x24: {  	s3 =	sadd.s32 $0x88, s3;
	s6 =	simm.s32 @!p1 $0x1082;
	[sflag:s4] =	ssyncset.s32 $0xFFFFF086  }
0x25: {  	[simem:s6], [sflag:s4] =	dma.local [hbm:s3], $0xF7A  }
0x26: {  	[smem:$0x3F9E] =	sst s1;
	(tag) =	ssettag s2;
	_ =	strace s9  }
0x27: {  	s1 =	sld [smem:$0x3FAE]  }
0x28: {  	s2 =	sld [smem:$0x3FAF]  }
0x29: {  	s4 =	sld [smem:$0x3FB1]  }
0x2a: {  	p0 =	seq.s32 s5, $0x0;
	s5 =	sld [smem:$0x3FB2]  }
0x2b: {  	s6 =	sld [smem:$0x3FB3]  }
0x2c: {  	s7 =	sld [smem:$0x3FB4]  }
0x2d: {  	s3 =	simm.s32 $0x108;
	s8 =	sld [smem:$0x3FB5]  }
0x2e: {  	s3 =	simm.s32 @!p0 $0x1082;
	s9 =	sld [smem:$0x3FB6]  }
0x2f: {  	lr =	sadd.s32 s0, s3;
	s0 =	sld [smem:$0x3FAD]  }
0x30: {  	s3 =	sld [smem:$0x3FB0]  }
0x31: {  	[smem:$0x3FB9] =	sst s10  }
0x32: {  	s10 =	sld [smem:$0x3FB7];
	_ =	sdelay $0x3  }
0x33: {  	p0 =	seq.s32 s10, $0x1;
	s10 =	sld [smem:$0x3FB9];
	_ =	sdelay $0x3  }
0x34: {  	[smem:$0x3FB9] =	sst s10  }
0x35: {  	s10 =	sld [smem:$0x3FB8];
	_ =	sdelay $0x3  }
0x36: {  	p1 =	seq.s32 s10, $0x1;
	s10 =	sld [smem:$0x3FB9];
	_ =	sdelay $0x3  }
0x37: {  	[smem:$0x3FB9] =	sst s10  }
0x38: {  	s10 =	sld [smem:$0x3FBA]  }
0x39: {  	_ = 	snop;
	(pc) =	sbr.ind lr, $3  }
0x3a: {  	_ = 	snop  }
0x3b: {  	_ = 	snop  }
0x3c: {  	p2 =	seq.s32 s10, $0x1;
	s10 =	sld [smem:$0x3FB9]  }
0x3d: {  	_ =	shalt  }
0x3e: {  	_ =	shalt  }
0x3f: {  	_ =	shalt  }
0x40: {  	_ =	shalt  }
0x41: {  	_ =	shalt  }
0x42: {  	_ =	shalt  }
0x43: {  	_ =	shalt  }
0x44: {  	_ =	shalt  }
0x45: {  	_ =	shalt  }
0x46: {  	_ =	shalt  }
0x47: {  	_ =	shalt  }
0x48: {  	_ =	shalt  }
0x49: {  	_ =	shalt  }
0x4a: {  	_ =	shalt  }
0x4b: {  	_ =	shalt  }
0x4c: {  	_ =	shalt  }
0x4d: {  	_ =	shalt  }
0x4e: {  	_ =	shalt  }
0x4f: {  	_ =	shalt  }
0x50: {  	_ =	shalt  }
0x51: {  	_ =	shalt  }
0x52: {  	_ =	shalt  }
0x53: {  	_ =	shalt  }
0x54: {  	_ =	shalt  }
0x55: {  	_ =	shalt  }
0x56: {  	_ =	shalt  }
0x57: {  	_ =	shalt  }
0x58: {  	_ =	shalt  }
0x59: {  	_ =	shalt  }
0x5a: {  	_ =	shalt  }
0x5b: {  	_ =	shalt  }
0x5c: {  	_ =	shalt  }
0x5d: {  	_ =	shalt  }
0x5e: {  	_ =	shalt  }
0x5f: {  	_ =	shalt  }
0x60: {  	_ =	shalt  }
0x61: {  	_ =	shalt  }
0x62: {  	_ =	shalt  }
0x63: {  	_ =	shalt  }
0x64: {  	_ =	shalt  }
0x65: {  	_ =	shalt  }
0x66: {  	_ =	shalt  }
0x67: {  	_ =	shalt  }
0x68: {  	_ =	shalt  }
0x69: {  	_ =	shalt  }
0x6a: {  	_ =	shalt  }
0x6b: {  	_ =	shalt  }
0x6c: {  	_ =	shalt  }
0x6d: {  	_ =	shalt  }
0x6e: {  	_ =	shalt  }
0x6f: {  	_ =	shalt  }
0x70: {  	_ =	shalt  }
0x71: {  	_ =	shalt  }
0x72: {  	_ =	shalt  }
0x73: {  	_ =	shalt  }
0x74: {  	_ =	shalt  }
0x75: {  	_ =	shalt  }
0x76: {  	_ =	shalt  }
0x77: {  	_ =	shalt  }
0x78: {  	_ =	shalt  }
0x79: {  	_ =	shalt  }
0x7a: {  	_ =	shalt  }
0x7b: {  	_ =	shalt  }
0x7c: {  	_ =	shalt  }
0x7d: {  	_ =	shalt  }
0x7e: {  	_ =	shalt  }
0x7f: {  	_ =	shalt  }
0x80: {  	_ =	shalt  }
0x81: {  	_ =	shalt  }
0x82: {  	_ =	shalt  }
0x83: {  	_ =	shalt  }
0x84: {  	_ =	shalt  }
0x85: {  	_ =	shalt  }
0x86: {  	_ =	shalt  }
0x87: {  	_ =	shalt  }
.Lfunc_end0:
.L_simem_size_0:
called_computation_lowered:
.L_overlay_start_0:
0x88: {  	s2 =	sld [smem:$0x3FD9]  }
0x89: {  	s3 =	sld [smem:$0x3FFE];
	_ =	sdelay $0x1  }
0x8a: {  	s1 =	srdreg.scid  }
0x8b: {  	s0 =	sand.u32 $0x1, s1  }
0x8c: {  	s16 =	sshll.u32 s0, $0xA;
	s2 =	sadd.s32 s3, s2  }
0x8d: {  	s2 =	sadd.s32 s2, s16  }
0x8e: {  	[smem:$0x3FC5] =	sst s2  }
0x8f: {  	_ = 	snop  }
0x90: {  	(tm) =	ssettm $0x1  }
0x91: {  	s17 =	sld [smem:$0x3FFB];
	_ =	sdelay $0x3  }
0x92: {  	_ =	strace s17  }
0x93: {  	s2 =	sld [smem:$0x3FFC];
	_ =	sdelay $0x3  }
0x94: {  	_ =	strace s2  }
0x95: {  	s2 =	sld [smem:$0x3FFD];
	_ =	sdelay $0x3  }
0x96: {  	_ =	strace s2  }
0x97: {  	_ =	strace $0x8FFFFFFF  }
0x98: {  	s18 =	sld [smem:$0x3FDB];
	_ =	sdelay $0x1  }
0x99: {  	s19 =	simm.s32 $_scs_section_size  }
0x9a: {  	s4 =	simm.s32 $_size__tile_overlayer_lowered;
	s5 =	simm.s32 $_tile_overlayer_lowered  }
0x9b: {  	s22 =	simm.s32 $0x1BFF;
	s21 =	sshll.u32 s5, $0x1;
	s2 =	sadd.s32 s19, s18  }
0x9c: {  	s6 =	simm.s32 $0x0;
	s20 =	sshll.u32 s4, $0x1;
	s4 =	sadd.s32 s21, s2  }
0x9d: {  	[timem:s6], [sflag:s22] =	dma.local [hbm:s4], s20  }
0x9e: {  	_ =	swait.ge [sflag:s22], s20  }
0x9f: {  	s3 =	ssub.s32 $0x0, s20;
	[sflag:s22] =	ssyncset.done $0x0  }
0xa0: {  	[sflag:s22] =	ssyncadd.s32 s3;
	_ =	sdelay $0x1  }
0xa1: {  	s23 =	simm.s32 $0x1B8B  }
0xa2: {  	_ =	swait.ge [sflag:s23], $0x1  }
0xa3: {  	[sflag:s23] =	ssyncset.done $0x0  }
0xa4: {  	s25 =	simm.s32 $0x1B8E;
	s24 =	sld [smem:$0x3FFE];
	[sflag:s23] =	ssyncadd.s32 $0xFFFFFFFF  }
0xa5: {  	s26 =	simm.s32 $execute0_lowered;
	[smem:$0x3FD2] =	sst s25  }
0xa6: {  	s4 =	sshll.u32 s26, $0x1;
	_ =	strace $0x80000046;
	[dreg:$0x1] =	wrdreg $0xFFFFFFFF  }
0xa7: {  	s28 =	simm.s32 $_size_execute0_lowered;
	s2 =	sadd.s32 s2, s4;
	[dreg:$0x0] =	wrdreg $0x0  }
0xa8: {  	s4 =	sshll.u32 s28, $0x1;
	[dreg:$0x2] =	wrdreg s2  }
0xa9: {  	[dreg:$0x3] =	wrdreg s4  }
0xaa: {  	[dreg:$0x4] =	wrdreg $0xC0  }
0xab: {  	_ =	task [dreg:s6], $0x5FFFF  }
0xac: {  	[dreg:$0x1] =	wrdreg $0xFFFFFFFF  }
0xad: {  	[dreg:$0x0] =	wrdreg $0x60  }
0xae: {  	[dreg:$0x2] =	wrdreg s24  }
0xaf: {  	[dreg:$0x3] =	wrdreg $0x9  }
0xb0: {  	_ =	task.clear_ibuf [dreg:s6], $0x4FFFF;
	_ =	strace $0x90000046  }
0xb1: {  	s29 =	simm.s32 $0x9;
	_ =	strace $0x80000048  }
0xb2: {  	_ =	swait.ge [sflag:s29], $0x1  }
0xb3: {  	[sflag:s29] =	ssyncadd.s32 $0xFFFFFFFF  }
0xb4: {  	_ =	strace $0x90000048  }
0xb5: {  	_ =	sfence  }
0xb6: {  	s30 =	sld [smem:$0x0];
	_ =	sdelay $0x2  }
0xb7: {  	s31 =	sshll.u32 s1, $0xD;
	s1 =	sshrl.u32 s1, $0x2  }
0xb8: {  	s3 =	sand.u32 $0x4000, s31;
	s1 =	sadd.s32 s1, s30  }
0xb9: {  	s0 =	sor.u32 s3, s0;
	s1 =	sshll.u32 s1, $0x11  }
0xba: {  	s0 =	sor.u32 s1, s0  }
0xbb: {  	s0 =	sadd.s32 $0x8F2B, s0  }
0xbc: {  	[sflag:s0] =	ssyncadd.remote.s32 $0x1  }
0xbd: {  	_ =	sfence.sel $0xFFFF  }
0xbe: {  	[dreg:$0x0] =	wrdreg $0xFFFFFFFF;
	(pc) =	sbr.abs _section_cstart, $3  }
0xbf: {  	[dreg:$0x1] =	wrdreg $0xFFFFFFFF  }
0xc0: {  	_ =	task.clear_ibuf [dreg:s6], $0x2FFFF;
	_ =	strace $0x9FFFFFFF  }
0xc1: {  	(tm) =	ssettm $0x7FFFFFFF  }
tec
execute0_lowered:
.L_overlay_start_1:
0x0: {  	(tag) =	ssettag $0x1  }
0x1: {  	s3 =	rddreg [dreg:$0x0]  }
0x2: {  	s0 =	stileid.u32;
	s1 =	rddreg [dreg:$0x1]  }
0x3: {  	s6 =	srdreg.scid;
	s10 =	simm.s32 $0x10380;
	s11 =	simm.s32 $0x1C700  }
0x4: {  	s12 =	simm.s32 $0x1;
	s13 =	simm.s32 $0x0;
	s2 =	sshll.u32 s0, $0xE  }
0x5: {  	s4 =	sshll.u32 s0, $0x7;
	s6 =	sand.u32 $0x1, s6;
	s8 =	sshll.u32 s0, $0x6  }
0x6: {  	s5 =	sor.u32 s4, s2;
	s2 =	simm.s32 $0x0;
	s4 =	sand.u32 $0x700, s4  }
0x7: {  	s7 =	sshll.u32 s6, $0x7;
	s9 =	smul.u32 $0xC350, s6;
	s28 =	sand.u32 $0x40, s8  }
0x8: {  	s6 =	ssub.s32 $0x2, s6;
	s8 =	simm.s32 $0x400;
	s5 =	sand.u32 $0x20380, s5  }
0x9: {  	v0 =	vlaneseq.u32;
	vm1 =	vmmov $0xff;
	[smem:$0x7FF] =	sst s2;
	s4 =	sor.u32 s7, s4;
	s31 =	sshrl.u32 s6, $0x1  }
0xa: {  	v14 =	vimm.s32 $0x0;
	v2 =	vor.u32 $0x10, v0;
	v3 =	vor.u32 $0x20, v0;
	s5 =	sshrl.u32 s5, $0x3;
	_ =	strace $0x80000047;
	s4 =	sor.u32 s28, s4  }
0xb: {  	v4 =	vor.u32 $0x30, v0;
	v5 =	vor.u32 $0x40, v0;
	s29 =	sshrl.u32 s9, $0x3;
	v1 =	vmov s9;
	s6 =	ssub.s32 s6, s31;
	s9 =	simm.s32 $0x4000  }
0xc: {  	v6 =	vor.u32 $0x50, v0;
	v7 =	vor.u32 $0x60, v0;
	v8 =	vor.u32 $0x70, v0;
	s5 =	sadd.s32 s5, s3;
	s4 =	sshrl.u32 s4, $0x3;
	s7 =	sadd.s32 s29, s3  }
0xd: {  	v9 =	vor.u32 $0x80, v0;
	v10 =	vor.u32 $0x90, v0;
	v14 =	vsel vm1, $0xFFFFFFFF, v14;
	s6 =	smax.u32 s6, $0x1;
	s30 =	sadd.s32 s4, s3;
	s3 =	sadd.s32 $0x200, s5  }
0xe: {  	v11 =	vor.u32 $0xA0, v0;
	v12 =	vor.u32 $0xB0, v0;
	v13 =	vor.u32 $0xC0, v0;
	[tilespmem:$0x1FFF0] =	vst v14;
	s4 =	sadd.s32 $0x8200, s7;
	s7 =	simm.s32 $0x80;
	s5 =	sadd.s32 $0xB400, s30  }
.LBB2_1:
0xf: {  	[tilespmem:s2], [sflag:$0x1] =	stream.strided.gather [hbm4b:s3+s7], $0x4000, s8, s7, $0x38;
	[tilespmem:$0x1C780] =	vst v63  }
0x10: {  	_ =	swait.ge [sflag:s12], $0x4000  }
0x11: {  	[sflag:s12] =	ssyncset.done $0x0  }
0x12: {  	[sflag:s12] =	ssyncadd.s32 $0xFFFFC000  }
0x13: {  	[tilespmem:s9], [sflag:$0x1] =	stream.linear.gather [hbm4b:s4+s2], $0xC350, $0x38;
	[tilespmem:$0x1C780] =	vst v63  }
0x14: {  	_ =	swait.ge [sflag:s12], $0xC350  }
0x15: {  	v14 =	vimm.f32 $0.0e+00;
	[sflag:s12] =	ssyncset.done $0x0  }
0x16: {  	s14 =	simm.s32 $0x100;
	s15 =	simm.s32 $0x1;
	v15 =	vimm.f32 $0.0e+00;
	v17 =	vimm.f32 $0.0e+00;
	v16 =	vimm.f32 $0.0e+00;
	[sflag:s12] =	ssyncadd.s32 $0xFFFF3CB0  }
.LBB2_2:
0x17: {  	v18 =	vld [tilespmem:s14+$0xFFFFFF00];
	_ =	sdelay $0x4  }
0x18: {  	v27 =	vsub.s32 v18, v1  }
0x19: {  	vm2 =	vlt.u32 v27, $0xC350;
	_ =	sdelay $0x5  }
0x1a: {  	[tilespmem:v27+s10+$0x0] =	vst.idx.msk vm2, v0  }
0x1b: {  	v18 =	vld [tilespmem:s14+$0xFFFFFF10];
	_ =	sdelay $0x4  }
0x1c: {  	v32 =	vsub.s32 v18, v1  }
0x1d: {  	vm4 =	vlt.u32 v32, $0xC350;
	_ =	sdelay $0x5  }
0x1e: {  	[tilespmem:v32+s10+$0x0] =	vst.idx.msk vm4, v2  }
0x1f: {  	v18 =	vld [tilespmem:s14+$0xFFFFFF20];
	_ =	sdelay $0x4  }
0x20: {  	v33 =	vsub.s32 v18, v1  }
0x21: {  	vm10 =	vlt.u32 v33, $0xC350;
	_ =	sdelay $0x5  }
0x22: {  	[tilespmem:v33+s10+$0x0] =	vst.idx.msk vm10, v3  }
0x23: {  	v18 =	vld [tilespmem:s14+$0xFFFFFF30];
	_ =	sdelay $0x4  }
0x24: {  	v34 =	vsub.s32 v18, v1  }
0x25: {  	vm14 =	vlt.u32 v34, $0xC350;
	_ =	sdelay $0x5  }
0x26: {  	[tilespmem:v34+s10+$0x0] =	vst.idx.msk vm14, v4  }
0x27: {  	v18 =	vld [tilespmem:s14+$0xFFFFFF40];
	_ =	sdelay $0x4  }
0x28: {  	v35 =	vsub.s32 v18, v1  }
0x29: {  	vm13 =	vlt.u32 v35, $0xC350;
	_ =	sdelay $0x5  }
0x2a: {  	[tilespmem:v35+s10+$0x0] =	vst.idx.msk vm13, v5  }
0x2b: {  	v18 =	vld [tilespmem:s14+$0xFFFFFF50];
	_ =	sdelay $0x4  }
0x2c: {  	v36 =	vsub.s32 v18, v1  }
0x2d: {  	vm6 =	vlt.u32 v36, $0xC350;
	_ =	sdelay $0x4  }
0x2e: {  	v18 =	vimm.s32 $0x0  }
0x2f: {  	v18 =	vsel vm6, $0xFFFFFFFF, v18;
	[tilespmem:v36+s10+$0x0] =	vst.idx.msk vm6, v6  }
0x30: {  	[tilespmem:$0x1FE90] =	vst v18;
	v18 =	vld [tilespmem:s14+$0xFFFFFF60];
	_ =	sdelay $0x4  }
0x31: {  	v37 =	vsub.s32 v18, v1  }
0x32: {  	vm15 =	vlt.u32 v37, $0xC350;
	_ =	sdelay $0x5  }
0x33: {  	[tilespmem:v37+s10+$0x0] =	vst.idx.msk vm15, v7  }
0x34: {  	v18 =	vld [tilespmem:s14+$0xFFFFFF70];
	_ =	sdelay $0x4  }
0x35: {  	v38 =	vsub.s32 v18, v1  }
0x36: {  	vm12 =	vlt.u32 v38, $0xC350;
	_ =	sdelay $0x5  }
0x37: {  	[tilespmem:v38+s10+$0x0] =	vst.idx.msk vm12, v8  }
0x38: {  	v18 =	vld [tilespmem:s14+$0xFFFFFF80];
	_ =	sdelay $0x4  }
0x39: {  	v39 =	vsub.s32 v18, v1  }
0x3a: {  	vm8 =	vlt.u32 v39, $0xC350;
	_ =	sdelay $0x5  }
0x3b: {  	[tilespmem:v39+s10+$0x0] =	vst.idx.msk vm8, v9  }
0x3c: {  	v18 =	vld [tilespmem:s14+$0xFFFFFF90];
	_ =	sdelay $0x4  }
0x3d: {  	v40 =	vsub.s32 v18, v1  }
0x3e: {  	vm9 =	vlt.u32 v40, $0xC350;
	_ =	sdelay $0x4  }
0x3f: {  	v18 =	vimm.s32 $0x0  }
0x40: {  	v18 =	vsel vm9, $0xFFFFFFFF, v18;
	[tilespmem:v40+s10+$0x0] =	vst.idx.msk vm9, v10  }
0x41: {  	[tilespmem:$0x1FEA0] =	vst v18;
	v18 =	vld [tilespmem:s14+$0xFFFFFFA0];
	_ =	sdelay $0x4  }
0x42: {  	v41 =	vsub.s32 v18, v1  }
0x43: {  	vm7 =	vlt.u32 v41, $0xC350;
	_ =	sdelay $0x4  }
0x44: {  	v18 =	vimm.s32 $0x0  }
0x45: {  	v18 =	vsel vm7, $0xFFFFFFFF, v18;
	[tilespmem:v41+s10+$0x0] =	vst.idx.msk vm7, v11  }
0x46: {  	[tilespmem:$0x1FEB0] =	vst v18;
	v18 =	vld [tilespmem:s14+$0xFFFFFFB0];
	_ =	sdelay $0x4  }
0x47: {  	v42 =	vsub.s32 v18, v1  }
0x48: {  	vm5 =	vlt.u32 v42, $0xC350;
	_ =	sdelay $0x4  }
0x49: {  	v18 =	vimm.s32 $0x0  }
0x4a: {  	v18 =	vsel vm5, $0xFFFFFFFF, v18;
	[tilespmem:v42+s10+$0x0] =	vst.idx.msk vm5, v12  }
0x4b: {  	[tilespmem:$0x1FEC0] =	vst v18;
	v18 =	vld [tilespmem:s14+$0xFFFFFFC0];
	_ =	sdelay $0x4  }
0x4c: {  	v43 =	vsub.s32 v18, v1  }
0x4d: {  	vm0 =	vlt.u32 v43, $0xC350  }
0x4e: {  	vm11 =	vmand vm0, vm1;
	_ =	sdelay $0x5  }
0x4f: {  	[tilespmem:v43+s10+$0x0] =	vst.idx.msk vm11, v13  }
0x50: {  	v44 =	vld.idx.msk [tilespmem:v27+s10+$0x0], vm2  }
0x51: {  	v18 =	vld [tilespmem:s14+$0x0]  }
0x52: {  	v45 =	vld.idx.msk [tilespmem:v32+s10+$0x0], vm4  }
0x53: {  	v46 =	vld.idx.msk [tilespmem:v33+s10+$0x0], vm10  }
0x54: {  	v47 =	vld.idx.msk [tilespmem:v34+s10+$0x0], vm14  }
0x55: {  	v48 =	vld.idx.msk [tilespmem:v35+s10+$0x0], vm13  }
0x56: {  	v49 =	vld.idx.msk [tilespmem:v36+s10+$0x0], vm6;
	v18 =	vsub.s32 v18, v1  }
0x57: {  	v50 =	vld.idx.msk [tilespmem:v37+s10+$0x0], vm15;
	vm0 =	vlt.u32 v18, $0xC350  }
0x58: {  	v51 =	vld.idx.msk [tilespmem:v38+s10+$0x0], vm12  }
0x59: {  	v52 =	vld.idx.msk [tilespmem:v39+s10+$0x0], vm8  }
0x5a: {  	v53 =	vld.idx.msk [tilespmem:v40+s10+$0x0], vm9  }
0x5b: {  	v54 =	vld.idx.msk [tilespmem:v41+s10+$0x0], vm7  }
0x5c: {  	v19 =	vimm.s32 $0x0;
	v55 =	vld.idx.msk [tilespmem:v42+s10+$0x0], vm5  }
0x5d: {  	v56 =	vld.idx.msk [tilespmem:v43+s10+$0x0], vm11;
	v19 =	vsel vm0, $0xFFFFFFFF, v19;
	[tilespmem:v18+s10+$0x0] =	vst.idx.msk vm0, v0  }
0x5e: {  	[tilespmem:$0x1FED0] =	vst v19;
	v19 =	vld [tilespmem:s14+$0x10];
	_ =	sdelay $0x4  }
0x5f: {  	v19 =	vsub.s32 v19, v1  }
0x60: {  	vm0 =	vlt.u32 v19, $0xC350;
	_ =	sdelay $0x5  }
0x61: {  	[tilespmem:v19+s10+$0x0] =	vst.idx.msk vm0, v2  }
0x62: {  	v28 =	vld [tilespmem:s14+$0x20];
	_ =	sdelay $0x2  }
0x63: {  	v20 =	vimm.s32 $0x0  }
0x64: {  	v20 =	vsel vm0, $0xFFFFFFFF, v20  }
0x65: {  	[tilespmem:$0x1FEE0] =	vst v20;
	v20 =	vsub.s32 v28, v1  }
0x66: {  	vm0 =	vlt.u32 v20, $0xC350;
	_ =	sdelay $0x5  }
0x67: {  	[tilespmem:v20+s10+$0x0] =	vst.idx.msk vm0, v3  }
0x68: {  	v29 =	vld [tilespmem:s14+$0x30];
	_ =	sdelay $0x2  }
0x69: {  	v21 =	vimm.s32 $0x0  }
0x6a: {  	v21 =	vsel vm0, $0xFFFFFFFF, v21  }
0x6b: {  	[tilespmem:$0x1FEF0] =	vst v21;
	v21 =	vsub.s32 v29, v1  }
0x6c: {  	vm0 =	vlt.u32 v21, $0xC350;
	_ =	sdelay $0x5  }
0x6d: {  	[tilespmem:v21+s10+$0x0] =	vst.idx.msk vm0, v4  }
0x6e: {  	v30 =	vld [tilespmem:s14+$0x40];
	_ =	sdelay $0x2  }
0x6f: {  	v22 =	vimm.s32 $0x0  }
0x70: {  	v22 =	vsel vm0, $0xFFFFFFFF, v22  }
0x71: {  	[tilespmem:$0x1FF00] =	vst v22;
	v22 =	vsub.s32 v30, v1  }
0x72: {  	vm0 =	vlt.u32 v22, $0xC350;
	_ =	sdelay $0x5  }
0x73: {  	[tilespmem:v22+s10+$0x0] =	vst.idx.msk vm0, v5  }
0x74: {  	v31 =	vld [tilespmem:s14+$0x50];
	_ =	sdelay $0x2  }
0x75: {  	v23 =	vimm.s32 $0x0  }
0x76: {  	v23 =	vsel vm0, $0xFFFFFFFF, v23  }
0x77: {  	[tilespmem:$0x1FF10] =	vst v23;
	v23 =	vsub.s32 v31, v1  }
0x78: {  	vm0 =	vlt.u32 v23, $0xC350;
	_ =	sdelay $0x5  }
0x79: {  	[tilespmem:v23+s10+$0x0] =	vst.idx.msk vm0, v6  }
0x7a: {  	v57 =	vld [tilespmem:s14+$0x60];
	_ =	sdelay $0x2  }
0x7b: {  	v24 =	vimm.s32 $0x0  }
0x7c: {  	v24 =	vsel vm0, $0xFFFFFFFF, v24  }
0x7d: {  	[tilespmem:$0x1FF20] =	vst v24;
	v24 =	vsub.s32 v57, v1  }
0x7e: {  	vm0 =	vlt.u32 v24, $0xC350;
	_ =	sdelay $0x5  }
0x7f: {  	[tilespmem:v24+s10+$0x0] =	vst.idx.msk vm0, v7  }
0x80: {  	v58 =	vld [tilespmem:s14+$0x70];
	_ =	sdelay $0x2  }
0x81: {  	v25 =	vimm.s32 $0x0  }
0x82: {  	v25 =	vsel vm0, $0xFFFFFFFF, v25  }
0x83: {  	[tilespmem:$0x1FF30] =	vst v25;
	v25 =	vsub.s32 v58, v1  }
0x84: {  	vm0 =	vlt.u32 v25, $0xC350;
	_ =	sdelay $0x5  }
0x85: {  	[tilespmem:v25+s10+$0x0] =	vst.idx.msk vm0, v8  }
0x86: {  	v59 =	vld [tilespmem:s14+$0x80];
	_ =	sdelay $0x2  }
0x87: {  	v26 =	vimm.s32 $0x0  }
0x88: {  	v26 =	vsel vm0, $0xFFFFFFFF, v26  }
0x89: {  	[tilespmem:$0x1FF40] =	vst v26;
	v26 =	vsub.s32 v59, v1  }
0x8a: {  	vm0 =	vlt.u32 v26, $0xC350;
	_ =	sdelay $0x5  }
0x8b: {  	[tilespmem:v26+s10+$0x0] =	vst.idx.msk vm0, v9  }
0x8c: {  	v60 =	vld [tilespmem:s14+$0x90];
	_ =	sdelay $0x2  }
0x8d: {  	v28 =	vimm.s32 $0x0  }
0x8e: {  	v28 =	vsel vm0, $0xFFFFFFFF, v28  }
0x8f: {  	[tilespmem:$0x1FF50] =	vst v28;
	v28 =	vsub.s32 v60, v1  }
0x90: {  	vm0 =	vlt.u32 v28, $0xC350;
	_ =	sdelay $0x5  }
0x91: {  	[tilespmem:v28+s10+$0x0] =	vst.idx.msk vm0, v10  }
0x92: {  	v61 =	vld [tilespmem:s14+$0xA0];
	_ =	sdelay $0x2  }
0x93: {  	v29 =	vimm.s32 $0x0  }
0x94: {  	v29 =	vsel vm0, $0xFFFFFFFF, v29  }
0x95: {  	[tilespmem:$0x1FF60] =	vst v29;
	v29 =	vsub.s32 v61, v1  }
0x96: {  	vm0 =	vlt.u32 v29, $0xC350;
	_ =	sdelay $0x5  }
0x97: {  	[tilespmem:v29+s10+$0x0] =	vst.idx.msk vm0, v11  }
0x98: {  	v62 =	vld [tilespmem:s14+$0xB0];
	_ =	sdelay $0x2  }
0x99: {  	v30 =	vimm.s32 $0x0  }
0x9a: {  	v30 =	vsel vm0, $0xFFFFFFFF, v30  }
0x9b: {  	[tilespmem:$0x1FF70] =	vst v30;
	v30 =	vsub.s32 v62, v1  }
0x9c: {  	vm0 =	vlt.u32 v30, $0xC350;
	_ =	sdelay $0x5  }
0x9d: {  	[tilespmem:v30+s10+$0x0] =	vst.idx.msk vm0, v12  }
0x9e: {  	v63 =	vld [tilespmem:s14+$0xC0];
	_ =	sdelay $0x2  }
0x9f: {  	v31 =	vimm.s32 $0x0  }
0xa0: {  	v31 =	vsel vm0, $0xFFFFFFFF, v31  }
0xa1: {  	[tilespmem:$0x1FF80] =	vst v31;
	v31 =	vsub.s32 v63, v1  }
0xa2: {  	v59 =	vld [tilespmem:$0x1FED0];
	vm0 =	vlt.u32 v31, $0xC350  }
0xa3: {  	v60 =	vld [tilespmem:$0x1FEE0];
	vm3 =	vmand vm0, vm1;
	vm0 =	veq.s32 v44, v0  }
0xa4: {  	vm9 =	veq.s32 v50, v7;
	v61 =	vld [tilespmem:$0x1FEF0];
	vm1 =	veq.s32 v46, v3;
	vm6 =	vmand vm2, vm0  }
0xa5: {  	vm15 =	vmand vm15, vm9;
	vm9 =	veq.s32 v52, v9;
	v62 =	vld [tilespmem:$0x1FF00];
	vm5 =	vmand vm10, vm1  }
0xa6: {  	vm9 =	vmand vm8, vm9;
	v63 =	vld [tilespmem:$0x1FF10];
	vm2 =	veq.s32 v47, v4  }
0xa7: {  	vm0 =	veq.s32 v45, v2;
	vm10 =	vmand vm14, vm2;
	vm14 =	veq.s32 v49, v6;
	v49 =	vld [tilespmem:$0x1FE90]  }
0xa8: {  	vm0 =	vmand vm4, vm0;
	vm4 =	veq.s32 v51, v8;
	v51 =	vld [tilespmem:$0x1FEA0]  }
0xa9: {  	vm12 =	vmand vm12, vm4;
	vm4 =	veq.s32 v53, v10;
	v53 =	vld [tilespmem:$0x1FEB0];
	[tilespmem:v31+s10+$0x0] =	vst.idx.msk vm3, v13  }
0xaa: {  	vm2 =	veq.s32 v48, v5;
	v27 =	vld.idx.msk [tilespmem:v27+s9+$0x0], vm6  }
0xab: {  	vm13 =	vmand vm13, vm2;
	v33 =	vld.idx.msk [tilespmem:v33+s9+$0x0], vm5  }
0xac: {  	v37 =	vld.idx.msk [tilespmem:v37+s9+$0x0], vm15  }
0xad: {  	vm1 =	vnez.u8 v49;
	v39 =	vld.idx.msk [tilespmem:v39+s9+$0x0], vm9  }
0xae: {  	vm8 =	veq.s32 v54, v11;
	vm7 =	vmand vm1, vm14;
	v32 =	vld.idx.msk [tilespmem:v32+s9+$0x0], vm0;
	vm1 =	vnez.u8 v51  }
0xaf: {  	v57 =	vimm.s32 $0x0;
	v34 =	vld.idx.msk [tilespmem:v34+s9+$0x0], vm10;
	vm4 =	vmand vm1, vm4;
	vm1 =	vnez.u8 v53  }
0xb0: {  	v57 =	vsel vm3, $0xFFFFFFFF, v57;
	vm3 =	vmand vm1, vm8;
	vm8 =	veq.s32 v55, v12;
	v55 =	vld [tilespmem:$0x1FEC0]  }
0xb1: {  	vm14 =	vnez.u8 v60;
	v35 =	vld.idx.msk [tilespmem:v35+s9+$0x0], vm13  }
0xb2: {  	v52 =	vimm.s32 $0x0;
	v38 =	vld.idx.msk [tilespmem:v38+s9+$0x0], vm12  }
0xb3: {  	v53 =	vld [tilespmem:$0x1FF30];
	v44 =	vsel vm4, $0xFFFFFFFF, v52  }
0xb4: {  	v52 =	vld [tilespmem:$0x1FF20];
	[tilespmem:$0x1FF90] =	vst v44  }
0xb5: {  	v60 =	vld [tilespmem:$0x1FF90];
	vm1 =	vnez.u8 v55  }
0xb6: {  	v36 =	vld.idx.msk [tilespmem:v36+s9+$0x0], vm7;
	vm2 =	vmand vm1, vm8;
	vm8 =	veq.s32 v56, v13  }
0xb7: {  	v45 =	vld.idx.msk [tilespmem:v19+s10+$0x0], vm14;
	vm1 =	vmand vm11, vm8  }
0xb8: {  	v40 =	vld.idx.msk [tilespmem:v40+s9+$0x0], vm4  }
0xb9: {  	v55 =	vld [tilespmem:$0x1FF40]  }
0xba: {  	v54 =	vimm.s32 $0x0;
	v41 =	vld.idx.msk [tilespmem:v41+s9+$0x0], vm3;
	vm11 =	vnez.u8 v59  }
0xbb: {  	[tilespmem:$0x1FFA0] =	vst v57;
	v57 =	vimm.s32 $0x0;
	v44 =	vsel vm3, $0xFFFFFFFF, v54;
	v56 =	vld [tilespmem:$0x1FF50]  }
0xbc: {  	v58 =	vimm.s32 $0x0;
	[tilespmem:$0x1FFB0] =	vst v44;
	v44 =	vsel vm2, $0xFFFFFFFF, v57;
	v57 =	vld [tilespmem:$0x1FF60]  }
0xbd: {  	[tilespmem:$0x1FFC0] =	vst v44;
	v44 =	vsel vm1, $0xFFFFFFFF, v58;
	v43 =	vld.idx.msk [tilespmem:v43+s9+$0x0], vm1;
	vm1 =	vnez.u8 v61  }
0xbe: {  	v27 =	vadd.f32 $0.0e+00, v27;
	v42 =	vld.idx.msk [tilespmem:v42+s9+$0x0], vm2;
	vm2 =	vnez.u8 v62  }
0xbf: {  	vm3 =	vnez.u8 v63;
	v59 =	vld [tilespmem:$0x1FF80]  }
0xc0: {  	v33 =	vadd.f32 $0.0e+00, v33;
	v27 =	vnsel vm6, $0x0, v27;
	vm6 =	vnez.u8 v52;
	[tilespmem:$0x1FFD0] =	vst v44;
	v44 =	vld.idx.msk [tilespmem:v18+s10+$0x0], vm11  }
0xc1: {  	v58 =	vld [tilespmem:$0x1FF70]  }
0xc2: {  	v33 =	vnsel vm5, $0x0, v33;
	vm5 =	vnez.u8 v53;
	v63 =	vld [tilespmem:$0x1FFC0]  }
0xc3: {  	v32 =	vadd.f32 $0.0e+00, v32;
	v46 =	vld.idx.msk [tilespmem:v20+s10+$0x0], vm1  }
0xc4: {  	v37 =	vnsel vm15, $0x0, v37;
	v36 =	vnsel vm7, $0x0, v36;
	vm7 =	vnez.u8 v56;
	v47 =	vld.idx.msk [tilespmem:v21+s10+$0x0], vm2  }
0xc5: {  	v32 =	vnsel vm0, $0x0, v32;
	v48 =	vld.idx.msk [tilespmem:v22+s10+$0x0], vm3;
	vm15 =	vnez.u8 v57;
	vm0 =	veq.s32 v44, v0  }
0xc6: {  	v54 =	vimm.s32 $0x0;
	v49 =	vld.idx.msk [tilespmem:v23+s10+$0x0], vm6;
	vm4 =	vmand vm11, vm0;
	vm11 =	vnez.u8 v55  }
0xc7: {  	v34 =	vadd.f32 $0.0e+00, v34;
	v35 =	vnsel vm13, $0x0, v35;
	v61 =	vld [tilespmem:$0x1FFA0];
	vm0 =	veq.s32 v45, v2  }
0xc8: {  	v38 =	vnsel vm12, $0x0, v38;
	v50 =	vld.idx.msk [tilespmem:v24+s10+$0x0], vm5;
	vm8 =	vmand vm14, vm0;
	vm0 =	veq.s32 v46, v3  }
0xc9: {  	v62 =	vld [tilespmem:$0x1FFB0];
	v44 =	vsel vm4, $0xFFFFFFFF, v54;
	vm14 =	vmand vm1, vm0;
	vm0 =	veq.s32 v47, v4  }
0xca: {  	v45 =	vld.idx.msk [tilespmem:v26+s10+$0x0], vm7;
	vm12 =	vmand vm2, vm0;
	vm2 =	vnez.u8 v58;
	vm0 =	veq.s32 v48, v5  }
0xcb: {  	v46 =	vld.idx.msk [tilespmem:v28+s10+$0x0], vm15;
	vm13 =	vmand vm3, vm0;
	vm3 =	vnez.u8 v59;
	vm0 =	veq.s32 v49, v6  }
0xcc: {  	v34 =	vnsel vm10, $0x0, v34;
	[tilespmem:$0x1FFE0] =	vst v44;
	v44 =	vld.idx.msk [tilespmem:v25+s10+$0x0], vm11;
	vm10 =	vmand vm6, vm0;
	vm0 =	vnez.u8 v61  }
0xcd: {  	vm1 =	vnez.u8 v60;
	v18 =	vld.idx.msk [tilespmem:v18+s9+$0x0], vm4  }
0xce: {  	v40 =	vnsel vm1, $0x0, v40;
	vm1 =	veq.s32 v50, v7;
	v19 =	vld.idx.msk [tilespmem:v19+s9+$0x0], vm8  }
0xcf: {  	v39 =	vnsel vm9, $0x0, v39;
	vm9 =	vnez.u8 v62;
	vm1 =	vmand vm5, vm1;
	v20 =	vld.idx.msk [tilespmem:v20+s9+$0x0], vm14  }
0xd0: {  	v41 =	vnsel vm9, $0x0, v41;
	vm9 =	vnez.u8 v63;
	v47 =	vld.idx.msk [tilespmem:v29+s10+$0x0], vm2  }
0xd1: {  	v42 =	vnsel vm9, $0x0, v42;
	vm9 =	veq.s32 v45, v9;
	v48 =	vld.idx.msk [tilespmem:v30+s10+$0x0], vm3  }
0xd2: {  	v27 =	vadd.f32 v35, v27;
	vm6 =	vmand vm7, vm9;
	v49 =	vld.idx.msk [tilespmem:v31+s10+$0x0], vm0  }
0xd3: {  	v33 =	vadd.f32 v37, v33;
	v34 =	vadd.f32 v38, v34;
	vm5 =	veq.s32 v44, v8;
	v21 =	vld.idx.msk [tilespmem:v21+s9+$0x0], vm12  }
0xd4: {  	v27 =	vadd.f32 v39, v27;
	vm5 =	vmand vm11, vm5;
	vm11 =	veq.s32 v46, v10;
	v22 =	vld.idx.msk [tilespmem:v22+s9+$0x0], vm13  }
0xd5: {  	v32 =	vadd.f32 v36, v32;
	vm9 =	vmand vm15, vm11;
	v24 =	vld.idx.msk [tilespmem:v24+s9+$0x0], vm1;
	vm15 =	veq.s32 v47, v11  }
0xd6: {  	vm4 =	vmmov vm8;
	v23 =	vld.idx.msk [tilespmem:v23+s9+$0x0], vm10;
	vm7 =	vmand vm2, vm15;
	vm15 =	veq.s32 v48, v12  }
0xd7: {  	vm8 =	vmmov vm12;
	v47 =	vld [tilespmem:$0x1FFD0];
	vm11 =	vmand vm3, vm15;
	vm12 =	veq.s32 v49, v13  }
0xd8: {  	v33 =	vadd.f32 v41, v33;
	v19 =	vadd.f32 $0.0e+00, v19;
	v26 =	vld.idx.msk [tilespmem:v26+s9+$0x0], vm6;
	vm12 =	vmand vm0, vm12  }
0xd9: {  	v34 =	vadd.f32 v42, v34;
	v20 =	vadd.f32 $0.0e+00, v20;
	v48 =	vld [tilespmem:$0x1FFE0]  }
0xda: {  	v32 =	vadd.f32 v40, v32;
	v18 =	vadd.f32 $0.0e+00, v18;
	v19 =	vnsel vm4, $0x0, v19;
	v25 =	vld.idx.msk [tilespmem:v25+s9+$0x0], vm5  }
0xdb: {  	v21 =	vadd.f32 $0.0e+00, v21;
	v28 =	vld.idx.msk [tilespmem:v28+s9+$0x0], vm9;
	v20 =	vnsel vm14, $0x0, v20;
	v22 =	vnsel vm13, $0x0, v22  }
0xdc: {  	v24 =	vnsel vm1, $0x0, v24;
	v49 =	vadd.f32 v34, v33;
	vm0 =	vnez.u8 v47;
	v29 =	vld.idx.msk [tilespmem:v29+s9+$0x0], vm7  }
0xdd: {  	v21 =	vnsel vm8, $0x0, v21;
	v23 =	vnsel vm10, $0x0, v23;
	v35 =	vnsel vm0, $0x0, v43;
	v30 =	vld.idx.msk [tilespmem:v30+s9+$0x0], vm11  }
0xde: {  	v20 =	vadd.f32 v24, v20;
	vm0 =	vnez.u8 v48;
	v27 =	vadd.f32 v35, v27;
	v31 =	vld.idx.msk [tilespmem:v31+s9+$0x0], vm12  }
0xdf: {  	v19 =	vadd.f32 v23, v19;
	v25 =	vnsel vm5, $0x0, v25;
	v18 =	vnsel vm0, $0x0, v18  }
0xe0: {  	v50 =	vnsel vm9, $0x0, v28;
	v18 =	vadd.f32 v22, v18;
	v27 =	vadd.f32 v27, v32  }
0xe1: {  	v26 =	vnsel vm6, $0x0, v26;
	v21 =	vadd.f32 v25, v21;
	v19 =	vadd.f32 v50, v19  }
0xe2: {  	v18 =	vadd.f32 v26, v18;
	v27 =	vadd.f32 v27, v49;
	v51 =	vnsel vm7, $0x0, v29  }
0xe3: {  	v20 =	vadd.f32 v51, v20;
	v52 =	vnsel vm11, $0x0, v30;
	v53 =	vnsel vm12, $0x0, v31  }
0xe4: {  	v21 =	vadd.f32 v52, v21;
	v18 =	vadd.f32 v53, v18  }
0xe5: {  	(xrf2) =	vadd.scan.msk.f32 $0xffff, v27  }
0xe6: {  	v18 =	vadd.f32 v18, v19;
	v19 =	vadd.f32 v21, v20;
	_ =	sdelay $0x1  }
0xe7: {  	v18 =	vadd.f32 v18, v19;
	_ =	sdelay $0x1  }
0xe8: {  	(xrf2) =	vadd.scan.msk.f32 $0xffff, v18;
	_ =	sdelay $0x4  }
0xe9: {  	v18, _, _ =	vpop (xrf2)  }
0xea: {  	s16 =	sadd.s32 $0xFFFFFFFF, s15;
	v18 =	vbroadcast v18, $0xF  }
0xeb: {  	v19 =	vmov s16  }
0xec: {  	s25 =	sadd.s32 $0xFFFFFFEF, s15;
	vm0 =	veq.s32 v19, v0;
	v54 =	vadd.f32 v18, v16  }
0xed: {  	s26 =	sadd.s32 $0xFFFFFFDF, s15;
	v19 =	vmov s25;
	v55 =	vadd.f32 v18, v17;
	v56 =	vadd.f32 v18, v15  }
0xee: {  	v16 =	vsel vm0, v54, v16;
	vm0 =	veq.s32 v19, v0;
	v19 =	vmov s26;
	v57, _, _ =	vpop (xrf2)  }
0xef: {  	s28 =	sadd.s32 $0xFFFFFFCF, s15;
	v17 =	vsel vm0, v55, v17;
	vm0 =	veq.s32 v19, v0;
	v19 =	vbroadcast v57, $0xF  }
0xf0: {  	v58 =	vmov s28;
	v59 =	vmov s15;
	v18 =	vadd.f32 v18, v14  }
0xf1: {  	s29 =	sadd.s32 $0xFFFFFFF0, s15;
	v15 =	vsel vm0, v56, v15;
	vm0 =	veq.s32 v58, v0;
	v60 =	vadd.f32 v19, v16  }
0xf2: {  	v14 =	vsel vm0, v18, v14;
	vm0 =	veq.s32 v59, v0;
	v18 =	vmov s29  }
0xf3: {  	p0 =	sne.s32 s15, $0x3F;
	v16 =	vsel vm0, v60, v16;
	vm0 =	veq.s32 v18, v0;
	v18 =	vld [tilespmem:$0x1FFF0]  }
.Ltmp0:
0xf4: {  	s30 =	sadd.s32 $0xFFFFFFE0, s15;
	s31 =	sadd.s32 $0xFFFFFFD0, s15;
	(pc) =	sbr.rel @p0 .LBB2_2-.Ltmp0, $4  }
0xf5: {  	v62 =	vmov s30;
	v63 =	vmov s31;
	v22 =	vadd.f32 v19, v15  }
0xf6: {  	vm1 =	veq.s32 v62, v0;
	v61 =	vadd.f32 v19, v17;
	v19 =	vadd.f32 v19, v14  }
0xf7: {  	vm2 =	veq.s32 v63, v0;
	v15 =	vsel vm1, v22, v15  }
0xf8: {  	s14 =	sadd.s32 $0x200, s14;
	s15 =	sadd.s32 $0x2, s15;
	v14 =	vsel vm2, v19, v14;
	v17 =	vsel vm0, v61, v17;
	vm1 =	vnez.u8 v18  }
0xf9: {  	[tilespmem:$0x1C700] =	vst v16  }
0xfa: {  	[tilespmem:$0x1C710] =	vst v17;
	s13 =	sadd.s32 $0x1, s13  }
0xfb: {  	[tilespmem:$0x1C720] =	vst v15;
	p0 =	sne.s32 s13, s6  }
.Ltmp1:
0xfc: {  	[tilespmem:$0x1C730] =	vst v14;
	(pc) =	sbr.rel @p0 .LBB2_1-.Ltmp1, $4  }
0xfd: {  	[hbm4b:s5+s2] =	stream.linear.scatter [tilespmem:s11], [sflag:$0x1], $0x40, $0x38;
	[tilespmem:$0x1C780] =	vst v63  }
0xfe: {  	_ =	swait.ge [sflag:s12], $0x40  }
0xff: {  	[sflag:s12] =	ssyncset.done $0x0  }
0x100: {  	[sflag:s12] =	ssyncadd.s32 $0xFFFFFFC0  }
0x101: {  	_ =	sfence.sel $0x180000  }
0x102: {  	[bflag:$0x0] =	sbarrier.arrive $0xFFFF  }
0x103: {  	p0 =	sne.s32 s0, $0x0;
	_ =	strace $0x90000047  }
0x104: {  	s0 =	sadd.s32 @!p0 $0x100000, s1;
	[bflag:$0x2] =	sbarrier.arrive $0xFFFF  }
0x105: {  	[sflag:s0] =	ssyncadd.tile.s32 @!p0 $0x1;
	_ =	shalt  }
.Lfunc_end2:
_tile_overlayer_lowered:
.L_overlay_start_2:
0x106: {  	(tag) =	ssettag $0x2  }
0x107: {  	s0 =	rddreg [dreg:$0x0];
	s2 =	stileid.u32  }
0x108: {  	s1 =	rddreg [dreg:$0x1];
	p0 =	sne.s32 s2, $0x0  }
0x109: {  	s3 =	rddreg [dreg:$0x2];
	[bflag:$0x3] =	sbarrier.arrive $0xFFFF;
	s2 =	simm.s32 @!p0 $0x1C01  }
0x10a: {  	[timem:s3], [sflag:s2] =	dma.local @!p0 [hbm:s0], s1  }
0x10b: {  	s0 =	simm.s32 @!p0 $0x1  }
0x10c: {  	_ =	swait.ge @!p0 [sflag:s0], s1  }
0x10d: {  	s1 =	ssub.s32 @!p0 $0x0, s1;
	[sflag:s0] =	ssyncset.done @!p0 $0x0  }
0x10e: {  	[sflag:s0] =	ssyncadd.s32 @!p0 s1  }
0x10f: {  	[bflag:$0x3] =	sbarrier.arrive $0xFFFF  }
0x110: {  	_ =	shalt  }

</sc_bundles>
